<compile_context>
chip_gen: v7x
topology: tpu7x:2x2x1
jax: 0.10.2.dev20260603
libtpu: 0.0.44.dev20260713+nightly
codegen_flags: <defaults>
</compile_context>

<pallas_src>
import functools

import jax
import jax.numpy as jnp
from jax import lax
from jax.experimental import pallas as pl
from jax.experimental.pallas import tpu as pltpu, tpu_sc as plsc

N = 10000
E = 320000
D_IN = 128
D_H = 256
N_CLS = 47

NP = 10240
ROWS_PER = NP // 16
B = 128
EPC_E = 79 * B
EPC_C = 157 * B
EP = 32 * EPC_E


def _make_agg(mode: str):
    scratch = [
        pltpu.VMEM((B,), jnp.int32),
        pltpu.VMEM((B,), jnp.int32),
        pltpu.VMEM((B, 128), jnp.float32),
        pltpu.VMEM_SHARED((NP, 128), jnp.float32),
        pltpu.SemaphoreType.DMA,
    ]
    mesh = plsc.VectorSubcoreMesh(core_axis_name="c", subcore_axis_name="s")

    @functools.partial(
        pl.kernel, mesh=mesh,
        out_type=jax.ShapeDtypeStruct((2, NP, 128), jnp.float32),
        scratch_types=scratch)
    def agg(*refs):
        if mode == "edge":
            table, src_hbm, dst_hbm, zrows, s_out = refs[:5]
        elif mode == "chan":
            table0, table1, src_hbm, dst_hbm, zrows, s_out = refs[:6]
        else:
            dst_hbm, zrows, ones_hbm, s_out = refs[:4]
        src_v, dst_v, rows_v, acc, sem = refs[-5:]

        cid = lax.axis_index("c")
        sid = lax.axis_index("s")
        r0 = sid * ROWS_PER

        def sweep(table, e0, nchunk):
            def step(i, carry):
                off = e0 + i * B
                if mode != "deg":
                    pltpu.sync_copy(src_hbm.at[pl.ds(off, B)], src_v)
                pltpu.sync_copy(dst_hbm.at[pl.ds(off, B)], dst_v)
                if mode != "deg":
                    pltpu.async_copy(table.at[src_v], rows_v, sem).wait()
                pltpu.sync_copy(rows_v, acc.at[dst_v], add=True)
                return carry
            lax.fori_loop(0, nchunk, step, 0)

        def run(table, out_idx):
            pltpu.sync_copy(zrows.at[pl.ds(r0, ROWS_PER)],
                            acc.at[pl.ds(r0, ROWS_PER)])
            if mode == "deg":
                pltpu.sync_copy(ones_hbm, rows_v)
            plsc.subcore_barrier()
            if mode == "chan":
                sweep(table, sid * EPC_C, EPC_C // B)
            else:
                wid = sid * 2 + out_idx
                sweep(table, wid * EPC_E, EPC_E // B)
            plsc.subcore_barrier()
            pltpu.sync_copy(acc.at[pl.ds(r0, ROWS_PER)],
                            s_out.at[out_idx, pl.ds(r0, ROWS_PER)])

        if mode == "chan":
            @pl.when(cid == 0)
            def _():
                run(table0, 0)

            @pl.when(cid == 1)
            def _():
                run(table1, 1)
        else:
            tbl = None if mode == "deg" else table

            @pl.when(cid == 0)
            def _():
                run(tbl, 0)

            @pl.when(cid == 1)
            def _():
                run(tbl, 1)

    return agg


def _dot(a, b):
    return jnp.dot(a, b, preferred_element_type=jnp.float32)


BM = 512


def _inv_deg(degp_ref):
    deg = degp_ref[0][:, 0:1] + degp_ref[1][:, 0:1]
    return 1.0 / jnp.maximum(deg, 1.0)


def _tc_a(x_ref, s0_ref, degp_ref, ws_ref, wn_ref, b_ref, out_ref):
    neigh = (s0_ref[0] + s0_ref[1]) * _inv_deg(degp_ref)
    h = _dot(x_ref[...], ws_ref[...]) + _dot(neigh, wn_ref[...]) + b_ref[...]
    h = jnp.maximum(h, 0.0)
    out_ref[0] = h[:, :D_H // 2]
    out_ref[1] = h[:, D_H // 2:]


def _tc_b(h1_ref, s1_ref, degp_ref, ws_ref, wn_ref, b_ref, wn2_ref,
          h2_ref, p2_ref):
    h1 = jnp.concatenate([h1_ref[0], h1_ref[1]], axis=1)
    neigh = jnp.concatenate([s1_ref[0], s1_ref[1]], axis=1) * _inv_deg(degp_ref)
    h2 = _dot(h1, ws_ref[...]) + _dot(neigh, wn_ref[...]) + b_ref[...]
    h2 = jnp.maximum(h2, 0.0)
    h2_ref[...] = h2
    p2_ref[...] = _dot(h2, wn2_ref[...])


def _tc_c(h2_ref, s2_ref, degp_ref, ws_ref, b_ref, out_ref):
    neigh = (s2_ref[0] + s2_ref[1]) * _inv_deg(degp_ref)
    out_ref[...] = _dot(h2_ref[...], ws_ref[...]) + neigh + b_ref[...]


def _row_spec(d):
    return pl.BlockSpec((BM, d), lambda i: (i, 0))


def _half_spec(d):
    return pl.BlockSpec((2, BM, d), lambda i: (0, i, 0))


def _full_spec(shape):
    return pl.BlockSpec(shape, lambda i: tuple(0 for _ in shape))


def kernel(x, edge_index, W_self0, W_neigh0, b0, W_self1, W_neigh1, b1,
           W_self2, W_neigh2, b2):
    f32 = jnp.float32
    src = edge_index[0]
    dst = edge_index[1]
    src_p = jnp.concatenate([src, jnp.zeros((EP - E,), jnp.int32)])
    dst_p = jnp.concatenate([dst, jnp.full((EP - E,), N, jnp.int32)])

    x_p = jnp.pad(x, ((0, NP - N), (0, 0)))
    z128 = jnp.zeros((NP, 128), f32)
    ones = jnp.ones((B, 128), f32)

    wn2p = jnp.pad(W_neigh2, ((0, 0), (0, 128 - N_CLS)))
    ws2p = jnp.pad(W_self2, ((0, 0), (0, 128 - N_CLS)))
    b0r = b0.reshape(1, D_H)
    b1r = b1.reshape(1, D_H)
    b2r = jnp.pad(b2, (0, 128 - N_CLS)).reshape(1, 128)

    degp = _make_agg("deg")(dst_p, z128, ones)

    s0 = _make_agg("edge")(x_p, src_p, dst_p, z128)

    grid = (NP // BM,)
    h1h = pl.pallas_call(
        _tc_a,
        grid=grid,
        in_specs=[_row_spec(D_IN), _half_spec(128), _half_spec(128),
                  _full_spec((D_IN, D_H)), _full_spec((D_IN, D_H)),
                  _full_spec((1, D_H))],
        out_specs=_half_spec(D_H // 2),
        out_shape=jax.ShapeDtypeStruct((2, NP, D_H // 2), f32),
    )(x_p, s0, degp, W_self0, W_neigh0, b0r)

    s1 = _make_agg("chan")(h1h[0], h1h[1], src_p, dst_p, z128)

    h2, p2p = pl.pallas_call(
        _tc_b,
        grid=grid,
        in_specs=[_half_spec(D_H // 2), _half_spec(D_H // 2), _half_spec(128),
                  _full_spec((D_H, D_H)), _full_spec((D_H, D_H)),
                  _full_spec((1, D_H)), _full_spec((D_H, 128))],
        out_specs=[_row_spec(D_H), _row_spec(128)],
        out_shape=[jax.ShapeDtypeStruct((NP, D_H), f32),
                   jax.ShapeDtypeStruct((NP, 128), f32)],
    )(h1h, s1, degp, W_self1, W_neigh1, b1r, wn2p)

    s2 = _make_agg("edge")(p2p, src_p, dst_p, z128)

    outp = pl.pallas_call(
        _tc_c,
        grid=grid,
        in_specs=[_row_spec(D_H), _half_spec(128), _half_spec(128),
                  _full_spec((D_H, 128)), _full_spec((1, 128))],
        out_specs=_row_spec(128),
        out_shape=jax.ShapeDtypeStruct((NP, 128), f32),
    )(h2, s2, degp, ws2p, b2r)

    return outp[:N, :N_CLS]

# --- scband reference (transcript-rebuilt; emitter-appended) ---
"""Pipeline reference for scband-sage-10617159156507 (READ-ONLY COPY).

The authoritative reference and input builder live on the scoring server;
editing this copy changes nothing except your own understanding.
"""

import jax, jax.numpy as jnp
import numpy as np

N = 10000
E = 320000
D_IN = 128
D_H = 256
N_CLS = 47


def setup_inputs(seed: int = 0) -> dict:
    key = jax.random.key(seed)
    ks = jax.random.split(key, 12)
    x = jax.random.normal(ks[0], (N, D_IN), dtype=jnp.float32)
    edge_index = jax.random.randint(ks[1], (2, E), 0, N, dtype=jnp.int32)
    def lin(k, fan_in, fan_out):
        return jax.random.normal(k, (fan_in, fan_out), dtype=jnp.float32) / np.sqrt(fan_in)
    inp = {
        'x': x,
        'edge_index': edge_index,
        'W_self0': lin(ks[2], D_IN, D_H),
        'W_neigh0': lin(ks[3], D_IN, D_H),
        'b0': jnp.zeros((D_H,), jnp.float32),
        'W_self1': lin(ks[4], D_H, D_H),
        'W_neigh1': lin(ks[5], D_H, D_H),
        'b1': jnp.zeros((D_H,), jnp.float32),
        'W_self2': lin(ks[6], D_H, N_CLS),
        'W_neigh2': lin(ks[7], D_H, N_CLS),
        'b2': jnp.zeros((N_CLS,), jnp.float32),
    }
    return inp


def _sage_conv(h, src, dst, Ws, Wn, b):
    # DGL SAGEConv with 'mean' aggregator:
    # h_neigh[v] = mean_{u in N(v)} h[u]; out = h @ W_self + h_neigh @ W_neigh + b
    msg = jnp.take(h, src, axis=0)
    s = jax.ops.segment_sum(msg, dst, num_segments=N)
    deg = jax.ops.segment_sum(jnp.ones((src.shape[0],), h.dtype), dst, num_segments=N)
    h_neigh = s / jnp.maximum(deg, 1.0)[:, None]
    return h @ Ws + h_neigh @ Wn + b


def reference(x, edge_index, W_self0, W_neigh0, b0, W_self1, W_neigh1, b1, W_self2, W_neigh2, b2):
    src = edge_index[0]
    dst = edge_index[1]
    h = _sage_conv(x, src, dst, W_self0, W_neigh0, b0)
    h = jax.nn.relu(h)  # dropout is identity in eval
    h = _sage_conv(h, src, dst, W_self1, W_neigh1, b1)
    h = jax.nn.relu(h)
    h = _sage_conv(h, src, dst, W_self2, W_neigh2, b2)
    return h

if __name__ == "__main__":
    import jax
    _d = setup_inputs()
    print(jax.jit(kernel)(*tuple(_d.values())))

</pallas_src>

<mosaic_0001>
#map = affine_map<(d0, d1) -> (0, 0)>
#map1 = affine_map<(d0, d1) -> (0)>
#map2 = affine_map<(d0, d1) -> (0, 0, 0)>
module attributes {stable_mosaic.version = 14 : i64} {
  func.func @agg(%arg0: i32, %arg1: i32, %arg2: memref<10240x128xf32, #tpu.memory_space<hbm>>, %arg3: memref<323584xi32, #tpu.memory_space<hbm>>, %arg4: memref<323584xi32, #tpu.memory_space<hbm>>, %arg5: memref<10240x128xf32, #tpu.memory_space<hbm>>, %arg6: memref<2x10240x128xf32, #tpu.memory_space<hbm>>, %arg7: memref<128xi32, #tpu.memory_space<vmem>>, %arg8: memref<128xi32, #tpu.memory_space<vmem>>, %arg9: memref<128x128xf32, #tpu.memory_space<vmem>>, %arg10: memref<10240x128xf32, #tpu.memory_space<vmem_shared>>, %arg11: memref<!tpu.dma_semaphore, #tpu.memory_space<semaphore_mem>>) attributes {dimension_semantics = [#tpu.dimension_semantics<core_parallel>, #tpu.dimension_semantics<subcore_parallel>], iteration_bounds = array<i64: 2, 16>, scalar_prefetch = 0 : i64, scratch_operands = 5 : i64, tpu.core_type = #tpu.core_type<sc_vector_subcore>, window_params = [{transform_indices = #map}, {transform_indices = #map1}, {transform_indices = #map1}, {transform_indices = #map}, {transform_indices = #map2}]} {
    %mul3A = arith.constant 640 : i32
    %mul3A_0 = arith.muli %arg1, %mul3A : i32
    %eq3A = arith.constant 0 : i32
    %eq3A_1 = arith.cmpi eq, %arg0, %eq3A : i32
    %convert_element_type3A = arith.extui %eq3A_1 : i1 to i32
    %cond3A = arith.constant 0 : i32
    %cond3A_2 = arith.cmpi ne, %convert_element_type3A, %cond3A : i32
    scf.if %cond3A_2 {
      "tpu.region"() ({
        %run_scoped3A_19 = tpu.sem_alloc : memref<!tpu.dma_semaphore, #tpu.memory_space<semaphore_mem>>
        %dma_start3A = arith.constant 0 : i32
        %dma_start3A_20 = tpu.memref_slice %arg10[%mul3A_0, %dma_start3A] : memref<10240x128xf32, #tpu.memory_space<vmem_shared>> -> memref<640x128xf32, #tpu.memory_space<vmem_shared>>
        %dma_start3A_21 = arith.constant 0 : i32
        %dma_start3A_22 = tpu.memref_slice %arg5[%mul3A_0, %dma_start3A_21] : memref<10240x128xf32, #tpu.memory_space<hbm>> -> memref<640x128xf32, #tpu.memory_space<hbm>>
        tpu.enqueue_dma source(%dma_start3A_22 : memref<640x128xf32, #tpu.memory_space<hbm>>) target(%dma_start3A_20 : memref<640x128xf32, #tpu.memory_space<vmem_shared>>) target_semaphore(%run_scoped3A_19 : memref<!tpu.dma_semaphore, #tpu.memory_space<semaphore_mem>>)
        %dma_wait3A = arith.constant 0 : i32
        %dma_wait3A_23 = tpu.memref_slice %arg10[%mul3A_0, %dma_wait3A] : memref<10240x128xf32, #tpu.memory_space<vmem_shared>> -> memref<640x128xf32, #tpu.memory_space<vmem_shared>>
        %dma_wait3A_24 = arith.constant 0 : i32
        %dma_wait3A_25 = tpu.memref_slice %arg5[%mul3A_0, %dma_wait3A_24] : memref<10240x128xf32, #tpu.memory_space<hbm>> -> memref<640x128xf32, #tpu.memory_space<hbm>>
        tpu.wait_dma2 semaphore(%run_scoped3A_19 : memref<!tpu.dma_semaphore, #tpu.memory_space<semaphore_mem>>) src(%dma_wait3A_25 : memref<640x128xf32, #tpu.memory_space<hbm>>) dst(%dma_wait3A_23 : memref<640x128xf32, #tpu.memory_space<vmem_shared>>)
        tpu.yield
      }) : () -> ()
      %barrier3A = arith.constant 0 : index
      tpu.barrier barrier_id(%barrier3A)
      %mul3A_8 = arith.constant 2 : i32
      %mul3A_9 = arith.muli %arg1, %mul3A_8 : i32
      %add3A = arith.constant 0 : i32
      %add3A_10 = arith.addi %mul3A_9, %add3A : i32
      %mul3A_11 = arith.constant 10112 : i32
      %mul3A_12 = arith.muli %add3A_10, %mul3A_11 : i32
      %scan3A = arith.constant 0 : i32
      %scan3A_13 = arith.constant 0 : i32
      %scan3A_14 = arith.constant 79 : i32
      %scan3A_15 = arith.addi %scan3A_13, %scan3A_14 : i32
      %scan3A_16 = arith.constant 1 : i32
      scf.for %scan3A_19 = %scan3A_13 to %scan3A_15 step %scan3A_16  : i32 {
        %mul3A_20 = arith.constant 128 : i32
        %mul3A_21 = arith.muli %scan3A_19, %mul3A_20 : i32
        %add3A_22 = arith.addi %mul3A_12, %mul3A_21 : i32
        "tpu.region"() ({
          %run_scoped3A_27 = tpu.sem_alloc : memref<!tpu.dma_semaphore, #tpu.memory_space<semaphore_mem>>
          %dma_start3A_28 = tpu.memref_slice %arg3[%add3A_22] : memref<323584xi32, #tpu.memory_space<hbm>> -> memref<128xi32, #tpu.memory_space<hbm>>
          %dma_start3A_29 = tpu.memref_slice %arg3[%add3A_22] : memref<323584xi32, #tpu.memory_space<hbm>> -> memref<128xi32, #tpu.memory_space<hbm>>
          tpu.enqueue_dma source(%dma_start3A_29 : memref<128xi32, #tpu.memory_space<hbm>>) target(%arg7 : memref<128xi32, #tpu.memory_space<vmem>>) target_semaphore(%run_scoped3A_27 : memref<!tpu.dma_semaphore, #tpu.memory_space<semaphore_mem>>)
          %dma_wait3A_30 = tpu.memref_slice %arg3[%add3A_22] : memref<323584xi32, #tpu.memory_space<hbm>> -> memref<128xi32, #tpu.memory_space<hbm>>
          %dma_wait3A_31 = tpu.memref_slice %arg3[%add3A_22] : memref<323584xi32, #tpu.memory_space<hbm>> -> memref<128xi32, #tpu.memory_space<hbm>>
          tpu.wait_dma2 semaphore(%run_scoped3A_27 : memref<!tpu.dma_semaphore, #tpu.memory_space<semaphore_mem>>) src(%dma_wait3A_31 : memref<128xi32, #tpu.memory_space<hbm>>) dst(%arg7 : memref<128xi32, #tpu.memory_space<vmem>>)
          tpu.yield
        }) : () -> ()
        "tpu.region"() ({
          %run_scoped3A_27 = tpu.sem_alloc : memref<!tpu.dma_semaphore, #tpu.memory_space<semaphore_mem>>
          %dma_start3A_28 = tpu.memref_slice %arg4[%add3A_22] : memref<323584xi32, #tpu.memory_space<hbm>> -> memref<128xi32, #tpu.memory_space<hbm>>
          %dma_start3A_29 = tpu.memref_slice %arg4[%add3A_22] : memref<323584xi32, #tpu.memory_space<hbm>> -> memref<128xi32, #tpu.memory_space<hbm>>
          tpu.enqueue_dma source(%dma_start3A_29 : memref<128xi32, #tpu.memory_space<hbm>>) target(%arg8 : memref<128xi32, #tpu.memory_space<vmem>>) target_semaphore(%run_scoped3A_27 : memref<!tpu.dma_semaphore, #tpu.memory_space<semaphore_mem>>)
          %dma_wait3A_30 = tpu.memref_slice %arg4[%add3A_22] : memref<323584xi32, #tpu.memory_space<hbm>> -> memref<128xi32, #tpu.memory_space<hbm>>
          %dma_wait3A_31 = tpu.memref_slice %arg4[%add3A_22] : memref<323584xi32, #tpu.memory_space<hbm>> -> memref<128xi32, #tpu.memory_space<hbm>>
          tpu.wait_dma2 semaphore(%run_scoped3A_27 : memref<!tpu.dma_semaphore, #tpu.memory_space<semaphore_mem>>) src(%dma_wait3A_31 : memref<128xi32, #tpu.memory_space<hbm>>) dst(%arg8 : memref<128xi32, #tpu.memory_space<vmem>>)
          tpu.yield
        }) : () -> ()
        %dma_start3A = arith.constant 0 : i32
        %dma_start3A_23 = arith.constant 0 : i32
        %dma_start3A_24 = tpu.memref_slice %arg2[%dma_start3A, %dma_start3A_23] : memref<10240x128xf32, #tpu.memory_space<hbm>> -> memref<10240x128xf32, #tpu.memory_space<hbm>>
        tpu.enqueue_indirect_dma source(%dma_start3A_24 : memref<10240x128xf32, #tpu.memory_space<hbm>>) target(%arg9 : memref<128x128xf32, #tpu.memory_space<vmem>>) offsets(%arg7 : memref<128xi32, #tpu.memory_space<vmem>>) semaphore(%arg11 : memref<!tpu.dma_semaphore, #tpu.memory_space<semaphore_mem>>)
        %dma_wait3A = arith.constant 0 : i32
        %dma_wait3A_25 = arith.constant 0 : i32
        %dma_wait3A_26 = tpu.memref_slice %arg2[%dma_wait3A, %dma_wait3A_25] : memref<10240x128xf32, #tpu.memory_space<hbm>> -> memref<10240x128xf32, #tpu.memory_space<hbm>>
        tpu.wait_indirect_dma semaphore(%arg11 : memref<!tpu.dma_semaphore, #tpu.memory_space<semaphore_mem>>) src(%dma_wait3A_26 : memref<10240x128xf32, #tpu.memory_space<hbm>>) dst(%arg9 : memref<128x128xf32, #tpu.memory_space<vmem>>)
        "tpu.region"() ({
          %run_scoped3A_27 = tpu.sem_alloc : memref<!tpu.dma_semaphore, #tpu.memory_space<semaphore_mem>>
          %dma_start3A_28 = arith.constant 0 : i32
          %dma_start3A_29 = arith.constant 0 : i32
          %dma_start3A_30 = tpu.memref_slice %arg10[%dma_start3A_28, %dma_start3A_29] : memref<10240x128xf32, #tpu.memory_space<vmem_shared>> -> memref<10240x128xf32, #tpu.memory_space<vmem_shared>>
          tpu.enqueue_indirect_dma source(%arg9 : memref<128x128xf32, #tpu.memory_space<vmem>>) target(%dma_start3A_30 : memref<10240x128xf32, #tpu.memory_space<vmem_shared>>) offsets(%arg8 : memref<128xi32, #tpu.memory_space<vmem>>) semaphore(%run_scoped3A_27 : memref<!tpu.dma_semaphore, #tpu.memory_space<semaphore_mem>>) {add = true}
          %dma_wait3A_31 = arith.constant 0 : i32
          %dma_wait3A_32 = arith.constant 0 : i32
          %dma_wait3A_33 = tpu.memref_slice %arg10[%dma_wait3A_31, %dma_wait3A_32] : memref<10240x128xf32, #tpu.memory_space<vmem_shared>> -> memref<10240x128xf32, #tpu.memory_space<vmem_shared>>
          tpu.wait_indirect_dma semaphore(%run_scoped3A_27 : memref<!tpu.dma_semaphore, #tpu.memory_space<semaphore_mem>>) src(%arg9 : memref<128x128xf32, #tpu.memory_space<vmem>>) dst(%dma_wait3A_33 : memref<10240x128xf32, #tpu.memory_space<vmem_shared>>)
          tpu.yield
        }) : () -> ()
      }
      %scan3A_17 = arith.constant 79 : i32
      %barrier3A_18 = arith.constant 0 : index
      tpu.barrier barrier_id(%barrier3A_18)
      %run_scoped3A = arith.constant 0 : i32
      "tpu.region"() ({
        %run_scoped3A_19 = tpu.sem_alloc : memref<!tpu.dma_semaphore, #tpu.memory_space<semaphore_mem>>
        %dma_start3A = arith.constant 0 : i32
        %dma_start3A_20 = tpu.memref_slice %arg6[%run_scoped3A, %mul3A_0, %dma_start3A] : memref<2x10240x128xf32, #tpu.memory_space<hbm>> -> memref<1x640x128xf32, #tpu.memory_space<hbm>>
        %dma_start3A_21 = tpu.memref_squeeze %dma_start3A_20 : memref<1x640x128xf32, #tpu.memory_space<hbm>> -> memref<640x128xf32, #tpu.memory_space<hbm>>
        %dma_start3A_22 = arith.constant 0 : i32
        %dma_start3A_23 = tpu.memref_slice %arg10[%mul3A_0, %dma_start3A_22] : memref<10240x128xf32, #tpu.memory_space<vmem_shared>> -> memref<640x128xf32, #tpu.memory_space<vmem_shared>>
        tpu.enqueue_dma source(%dma_start3A_23 : memref<640x128xf32, #tpu.memory_space<vmem_shared>>) target(%dma_start3A_21 : memref<640x128xf32, #tpu.memory_space<hbm>>) target_semaphore(%run_scoped3A_19 : memref<!tpu.dma_semaphore, #tpu.memory_space<semaphore_mem>>)
        %dma_wait3A = arith.constant 0 : i32
        %dma_wait3A_24 = tpu.memref_slice %arg6[%run_scoped3A, %mul3A_0, %dma_wait3A] : memref<2x10240x128xf32, #tpu.memory_space<hbm>> -> memref<1x640x128xf32, #tpu.memory_space<hbm>>
        %dma_wait3A_25 = tpu.memref_squeeze %dma_wait3A_24 : memref<1x640x128xf32, #tpu.memory_space<hbm>> -> memref<640x128xf32, #tpu.memory_space<hbm>>
        %dma_wait3A_26 = arith.constant 0 : i32
        %dma_wait3A_27 = tpu.memref_slice %arg10[%mul3A_0, %dma_wait3A_26] : memref<10240x128xf32, #tpu.memory_space<vmem_shared>> -> memref<640x128xf32, #tpu.memory_space<vmem_shared>>
        tpu.wait_dma2 semaphore(%run_scoped3A_19 : memref<!tpu.dma_semaphore, #tpu.memory_space<semaphore_mem>>) src(%dma_wait3A_27 : memref<640x128xf32, #tpu.memory_space<vmem_shared>>) dst(%dma_wait3A_25 : memref<640x128xf32, #tpu.memory_space<hbm>>)
        tpu.yield
      }) : () -> ()
    } else {
    }
    %eq3A_3 = arith.constant 1 : i32
    %eq3A_4 = arith.cmpi eq, %arg0, %eq3A_3 : i32
    %convert_element_type3A_5 = arith.extui %eq3A_4 : i1 to i32
    %cond3A_6 = arith.constant 0 : i32
    %cond3A_7 = arith.cmpi ne, %convert_element_type3A_5, %cond3A_6 : i32
    scf.if %cond3A_7 {
      "tpu.region"() ({
        %run_scoped3A_19 = tpu.sem_alloc : memref<!tpu.dma_semaphore, #tpu.memory_space<semaphore_mem>>
        %dma_start3A = arith.constant 0 : i32
        %dma_start3A_20 = tpu.memref_slice %arg10[%mul3A_0, %dma_start3A] : memref<10240x128xf32, #tpu.memory_space<vmem_shared>> -> memref<640x128xf32, #tpu.memory_space<vmem_shared>>
        %dma_start3A_21 = arith.constant 0 : i32
        %dma_start3A_22 = tpu.memref_slice %arg5[%mul3A_0, %dma_start3A_21] : memref<10240x128xf32, #tpu.memory_space<hbm>> -> memref<640x128xf32, #tpu.memory_space<hbm>>
        tpu.enqueue_dma source(%dma_start3A_22 : memref<640x128xf32, #tpu.memory_space<hbm>>) target(%dma_start3A_20 : memref<640x128xf32, #tpu.memory_space<vmem_shared>>) target_semaphore(%run_scoped3A_19 : memref<!tpu.dma_semaphore, #tpu.memory_space<semaphore_mem>>)
        %dma_wait3A = arith.constant 0 : i32
        %dma_wait3A_23 = tpu.memref_slice %arg10[%mul3A_0, %dma_wait3A] : memref<10240x128xf32, #tpu.memory_space<vmem_shared>> -> memref<640x128xf32, #tpu.memory_space<vmem_shared>>
        %dma_wait3A_24 = arith.constant 0 : i32
        %dma_wait3A_25 = tpu.memref_slice %arg5[%mul3A_0, %dma_wait3A_24] : memref<10240x128xf32, #tpu.memory_space<hbm>> -> memref<640x128xf32, #tpu.memory_space<hbm>>
        tpu.wait_dma2 semaphore(%run_scoped3A_19 : memref<!tpu.dma_semaphore, #tpu.memory_space<semaphore_mem>>) src(%dma_wait3A_25 : memref<640x128xf32, #tpu.memory_space<hbm>>) dst(%dma_wait3A_23 : memref<640x128xf32, #tpu.memory_space<vmem_shared>>)
        tpu.yield
      }) : () -> ()
      %barrier3A = arith.constant 0 : index
      tpu.barrier barrier_id(%barrier3A)
      %mul3A_8 = arith.constant 2 : i32
      %mul3A_9 = arith.muli %arg1, %mul3A_8 : i32
      %add3A = arith.constant 1 : i32
      %add3A_10 = arith.addi %mul3A_9, %add3A : i32
      %mul3A_11 = arith.constant 10112 : i32
      %mul3A_12 = arith.muli %add3A_10, %mul3A_11 : i32
      %scan3A = arith.constant 0 : i32
      %scan3A_13 = arith.constant 0 : i32
      %scan3A_14 = arith.constant 79 : i32
      %scan3A_15 = arith.addi %scan3A_13, %scan3A_14 : i32
      %scan3A_16 = arith.constant 1 : i32
      scf.for %scan3A_19 = %scan3A_13 to %scan3A_15 step %scan3A_16  : i32 {
        %mul3A_20 = arith.constant 128 : i32
        %mul3A_21 = arith.muli %scan3A_19, %mul3A_20 : i32
        %add3A_22 = arith.addi %mul3A_12, %mul3A_21 : i32
        "tpu.region"() ({
          %run_scoped3A_27 = tpu.sem_alloc : memref<!tpu.dma_semaphore, #tpu.memory_space<semaphore_mem>>
          %dma_start3A_28 = tpu.memref_slice %arg3[%add3A_22] : memref<323584xi32, #tpu.memory_space<hbm>> -> memref<128xi32, #tpu.memory_space<hbm>>
          %dma_start3A_29 = tpu.memref_slice %arg3[%add3A_22] : memref<323584xi32, #tpu.memory_space<hbm>> -> memref<128xi32, #tpu.memory_space<hbm>>
          tpu.enqueue_dma source(%dma_start3A_29 : memref<128xi32, #tpu.memory_space<hbm>>) target(%arg7 : memref<128xi32, #tpu.memory_space<vmem>>) target_semaphore(%run_scoped3A_27 : memref<!tpu.dma_semaphore, #tpu.memory_space<semaphore_mem>>)
          %dma_wait3A_30 = tpu.memref_slice %arg3[%add3A_22] : memref<323584xi32, #tpu.memory_space<hbm>> -> memref<128xi32, #tpu.memory_space<hbm>>
          %dma_wait3A_31 = tpu.memref_slice %arg3[%add3A_22] : memref<323584xi32, #tpu.memory_space<hbm>> -> memref<128xi32, #tpu.memory_space<hbm>>
          tpu.wait_dma2 semaphore(%run_scoped3A_27 : memref<!tpu.dma_semaphore, #tpu.memory_space<semaphore_mem>>) src(%dma_wait3A_31 : memref<128xi32, #tpu.memory_space<hbm>>) dst(%arg7 : memref<128xi32, #tpu.memory_space<vmem>>)
          tpu.yield
        }) : () -> ()
        "tpu.region"() ({
          %run_scoped3A_27 = tpu.sem_alloc : memref<!tpu.dma_semaphore, #tpu.memory_space<semaphore_mem>>
          %dma_start3A_28 = tpu.memref_slice %arg4[%add3A_22] : memref<323584xi32, #tpu.memory_space<hbm>> -> memref<128xi32, #tpu.memory_space<hbm>>
          %dma_start3A_29 = tpu.memref_slice %arg4[%add3A_22] : memref<323584xi32, #tpu.memory_space<hbm>> -> memref<128xi32, #tpu.memory_space<hbm>>
          tpu.enqueue_dma source(%dma_start3A_29 : memref<128xi32, #tpu.memory_space<hbm>>) target(%arg8 : memref<128xi32, #tpu.memory_space<vmem>>) target_semaphore(%run_scoped3A_27 : memref<!tpu.dma_semaphore, #tpu.memory_space<semaphore_mem>>)
          %dma_wait3A_30 = tpu.memref_slice %arg4[%add3A_22] : memref<323584xi32, #tpu.memory_space<hbm>> -> memref<128xi32, #tpu.memory_space<hbm>>
          %dma_wait3A_31 = tpu.memref_slice %arg4[%add3A_22] : memref<323584xi32, #tpu.memory_space<hbm>> -> memref<128xi32, #tpu.memory_space<hbm>>
          tpu.wait_dma2 semaphore(%run_scoped3A_27 : memref<!tpu.dma_semaphore, #tpu.memory_space<semaphore_mem>>) src(%dma_wait3A_31 : memref<128xi32, #tpu.memory_space<hbm>>) dst(%arg8 : memref<128xi32, #tpu.memory_space<vmem>>)
          tpu.yield
        }) : () -> ()
        %dma_start3A = arith.constant 0 : i32
        %dma_start3A_23 = arith.constant 0 : i32
        %dma_start3A_24 = tpu.memref_slice %arg2[%dma_start3A, %dma_start3A_23] : memref<10240x128xf32, #tpu.memory_space<hbm>> -> memref<10240x128xf32, #tpu.memory_space<hbm>>
        tpu.enqueue_indirect_dma source(%dma_start3A_24 : memref<10240x128xf32, #tpu.memory_space<hbm>>) target(%arg9 : memref<128x128xf32, #tpu.memory_space<vmem>>) offsets(%arg7 : memref<128xi32, #tpu.memory_space<vmem>>) semaphore(%arg11 : memref<!tpu.dma_semaphore, #tpu.memory_space<semaphore_mem>>)
        %dma_wait3A = arith.constant 0 : i32
        %dma_wait3A_25 = arith.constant 0 : i32
        %dma_wait3A_26 = tpu.memref_slice %arg2[%dma_wait3A, %dma_wait3A_25] : memref<10240x128xf32, #tpu.memory_space<hbm>> -> memref<10240x128xf32, #tpu.memory_space<hbm>>
        tpu.wait_indirect_dma semaphore(%arg11 : memref<!tpu.dma_semaphore, #tpu.memory_space<semaphore_mem>>) src(%dma_wait3A_26 : memref<10240x128xf32, #tpu.memory_space<hbm>>) dst(%arg9 : memref<128x128xf32, #tpu.memory_space<vmem>>)
        "tpu.region"() ({
          %run_scoped3A_27 = tpu.sem_alloc : memref<!tpu.dma_semaphore, #tpu.memory_space<semaphore_mem>>
          %dma_start3A_28 = arith.constant 0 : i32
          %dma_start3A_29 = arith.constant 0 : i32
          %dma_start3A_30 = tpu.memref_slice %arg10[%dma_start3A_28, %dma_start3A_29] : memref<10240x128xf32, #tpu.memory_space<vmem_shared>> -> memref<10240x128xf32, #tpu.memory_space<vmem_shared>>
          tpu.enqueue_indirect_dma source(%arg9 : memref<128x128xf32, #tpu.memory_space<vmem>>) target(%dma_start3A_30 : memref<10240x128xf32, #tpu.memory_space<vmem_shared>>) offsets(%arg8 : memref<128xi32, #tpu.memory_space<vmem>>) semaphore(%run_scoped3A_27 : memref<!tpu.dma_semaphore, #tpu.memory_space<semaphore_mem>>) {add = true}
          %dma_wait3A_31 = arith.constant 0 : i32
          %dma_wait3A_32 = arith.constant 0 : i32
          %dma_wait3A_33 = tpu.memref_slice %arg10[%dma_wait3A_31, %dma_wait3A_32] : memref<10240x128xf32, #tpu.memory_space<vmem_shared>> -> memref<10240x128xf32, #tpu.memory_space<vmem_shared>>
          tpu.wait_indirect_dma semaphore(%run_scoped3A_27 : memref<!tpu.dma_semaphore, #tpu.memory_space<semaphore_mem>>) src(%arg9 : memref<128x128xf32, #tpu.memory_space<vmem>>) dst(%dma_wait3A_33 : memref<10240x128xf32, #tpu.memory_space<vmem_shared>>)
          tpu.yield
        }) : () -> ()
      }
      %scan3A_17 = arith.constant 79 : i32
      %barrier3A_18 = arith.constant 0 : index
      tpu.barrier barrier_id(%barrier3A_18)
      %run_scoped3A = arith.constant 1 : i32
      "tpu.region"() ({
        %run_scoped3A_19 = tpu.sem_alloc : memref<!tpu.dma_semaphore, #tpu.memory_space<semaphore_mem>>
        %dma_start3A = arith.constant 0 : i32
        %dma_start3A_20 = tpu.memref_slice %arg6[%run_scoped3A, %mul3A_0, %dma_start3A] : memref<2x10240x128xf32, #tpu.memory_space<hbm>> -> memref<1x640x128xf32, #tpu.memory_space<hbm>>
        %dma_start3A_21 = tpu.memref_squeeze %dma_start3A_20 : memref<1x640x128xf32, #tpu.memory_space<hbm>> -> memref<640x128xf32, #tpu.memory_space<hbm>>
        %dma_start3A_22 = arith.constant 0 : i32
        %dma_start3A_23 = tpu.memref_slice %arg10[%mul3A_0, %dma_start3A_22] : memref<10240x128xf32, #tpu.memory_space<vmem_shared>> -> memref<640x128xf32, #tpu.memory_space<vmem_shared>>
        tpu.enqueue_dma source(%dma_start3A_23 : memref<640x128xf32, #tpu.memory_space<vmem_shared>>) target(%dma_start3A_21 : memref<640x128xf32, #tpu.memory_space<hbm>>) target_semaphore(%run_scoped3A_19 : memref<!tpu.dma_semaphore, #tpu.memory_space<semaphore_mem>>)
        %dma_wait3A = arith.constant 0 : i32
        %dma_wait3A_24 = tpu.memref_slice %arg6[%run_scoped3A, %mul3A_0, %dma_wait3A] : memref<2x10240x128xf32, #tpu.memory_space<hbm>> -> memref<1x640x128xf32, #tpu.memory_space<hbm>>
        %dma_wait3A_25 = tpu.memref_squeeze %dma_wait3A_24 : memref<1x640x128xf32, #tpu.memory_space<hbm>> -> memref<640x128xf32, #tpu.memory_space<hbm>>
        %dma_wait3A_26 = arith.constant 0 : i32
        %dma_wait3A_27 = tpu.memref_slice %arg10[%mul3A_0, %dma_wait3A_26] : memref<10240x128xf32, #tpu.memory_space<vmem_shared>> -> memref<640x128xf32, #tpu.memory_space<vmem_shared>>
        tpu.wait_dma2 semaphore(%run_scoped3A_19 : memref<!tpu.dma_semaphore, #tpu.memory_space<semaphore_mem>>) src(%dma_wait3A_27 : memref<640x128xf32, #tpu.memory_space<vmem_shared>>) dst(%dma_wait3A_25 : memref<640x128xf32, #tpu.memory_space<hbm>>)
        tpu.yield
      }) : () -> ()
    } else {
    }
    return
  }
}

#map = affine_map<(d0, d1) -> (0, 0)>
#map1 = affine_map<(d0, d1) -> (0)>
#map2 = affine_map<(d0, d1) -> (0, 0, 0)>
module attributes {stable_mosaic.version = 14 : i64} {
  func.func @agg(%arg0: i32, %arg1: i32, %arg2: memref<10240x128xf32, #tpu.memory_space<hbm>>, %arg3: memref<323584xi32, #tpu.memory_space<hbm>>, %arg4: memref<323584xi32, #tpu.memory_space<hbm>>, %arg5: memref<10240x128xf32, #tpu.memory_space<hbm>>, %arg6: memref<2x10240x128xf32, #tpu.memory_space<hbm>>, %arg7: memref<128xi32, #tpu.memory_space<vmem>>, %arg8: memref<128xi32, #tpu.memory_space<vmem>>, %arg9: memref<128x128xf32, #tpu.memory_space<vmem>>, %arg10: memref<10240x128xf32, #tpu.memory_space<vmem_shared>>, %arg11: memref<!tpu.dma_semaphore, #tpu.memory_space<semaphore_mem>>) attributes {dimension_semantics = [#tpu.dimension_semantics<core_parallel>, #tpu.dimension_semantics<subcore_parallel>], iteration_bounds = array<i64: 2, 16>, scalar_prefetch = 0 : i64, scratch_operands = 5 : i64, tpu.core_type = #tpu.core_type<sc_vector_subcore>, window_params = [{transform_indices = #map}, {transform_indices = #map1}, {transform_indices = #map1}, {transform_indices = #map}, {transform_indices = #map2}]} {
    %mul3A = arith.constant 640 : i32
    %mul3A_0 = arith.muli %arg1, %mul3A : i32
    %eq3A = arith.constant 0 : i32
    %eq3A_1 = arith.cmpi eq, %arg0, %eq3A : i32
    %convert_element_type3A = arith.extui %eq3A_1 : i1 to i32
    %cond3A = arith.constant 0 : i32
    %cond3A_2 = arith.cmpi ne, %convert_element_type3A, %cond3A : i32
    scf.if %cond3A_2 {
      "tpu.region"() ({
        %run_scoped3A_19 = tpu.sem_alloc : memref<!tpu.dma_semaphore, #tpu.memory_space<semaphore_mem>>
        %dma_start3A = arith.constant 0 : i32
        %dma_start3A_20 = tpu.memref_slice %arg10[%mul3A_0, %dma_start3A] : memref<10240x128xf32, #tpu.memory_space<vmem_shared>> -> memref<640x128xf32, #tpu.memory_space<vmem_shared>>
        %dma_start3A_21 = arith.constant 0 : i32
        %dma_start3A_22 = tpu.memref_slice %arg5[%mul3A_0, %dma_start3A_21] : memref<10240x128xf32, #tpu.memory_space<hbm>> -> memref<640x128xf32, #tpu.memory_space<hbm>>
        tpu.enqueue_dma source(%dma_start3A_22 : memref<640x128xf32, #tpu.memory_space<hbm>>) target(%dma_start3A_20 : memref<640x128xf32, #tpu.memory_space<vmem_shared>>) target_semaphore(%run_scoped3A_19 : memref<!tpu.dma_semaphore, #tpu.memory_space<semaphore_mem>>)
        %dma_wait3A = arith.constant 0 : i32
        %dma_wait3A_23 = tpu.memref_slice %arg10[%mul3A_0, %dma_wait3A] : memref<10240x128xf32, #tpu.memory_space<vmem_shared>> -> memref<640x128xf32, #tpu.memory_space<vmem_shared>>
        %dma_wait3A_24 = arith.constant 0 : i32
        %dma_wait3A_25 = tpu.memref_slice %arg5[%mul3A_0, %dma_wait3A_24] : memref<10240x128xf32, #tpu.memory_space<hbm>> -> memref<640x128xf32, #tpu.memory_space<hbm>>
        tpu.wait_dma2 semaphore(%run_scoped3A_19 : memref<!tpu.dma_semaphore, #tpu.memory_space<semaphore_mem>>) src(%dma_wait3A_25 : memref<640x128xf32, #tpu.memory_space<hbm>>) dst(%dma_wait3A_23 : memref<640x128xf32, #tpu.memory_space<vmem_shared>>)
        tpu.yield
      }) : () -> ()
      %barrier3A = arith.constant 0 : index
      tpu.barrier barrier_id(%barrier3A)
      %mul3A_8 = arith.constant 2 : i32
      %mul3A_9 = arith.muli %arg1, %mul3A_8 : i32
      %add3A = arith.constant 0 : i32
      %add3A_10 = arith.addi %mul3A_9, %add3A : i32
      %mul3A_11 = arith.constant 10112 : i32
      %mul3A_12 = arith.muli %add3A_10, %mul3A_11 : i32
      %scan3A = arith.constant 0 : i32
      %scan3A_13 = arith.constant 0 : i32
      %scan3A_14 = arith.constant 79 : i32
      %scan3A_15 = arith.addi %scan3A_13, %scan3A_14 : i32
      %scan3A_16 = arith.constant 1 : i32
      scf.for %scan3A_19 = %scan3A_13 to %scan3A_15 step %scan3A_16  : i32 {
        %mul3A_20 = arith.constant 128 : i32
        %mul3A_21 = arith.muli %scan3A_19, %mul3A_20 : i32
        %add3A_22 = arith.addi %mul3A_12, %mul3A_21 : i32
        "tpu.region"() ({
          %run_scoped3A_27 = tpu.sem_alloc : memref<!tpu.dma_semaphore, #tpu.memory_space<semaphore_mem>>
          %dma_start3A_28 = tpu.memref_slice %arg3[%add3A_22] : memref<323584xi32, #tpu.memory_space<hbm>> -> memref<128xi32, #tpu.memory_space<hbm>>
          %dma_start3A_29 = tpu.memref_slice %arg3[%add3A_22] : memref<323584xi32, #tpu.memory_space<hbm>> -> memref<128xi32, #tpu.memory_space<hbm>>
          tpu.enqueue_dma source(%dma_start3A_29 : memref<128xi32, #tpu.memory_space<hbm>>) target(%arg7 : memref<128xi32, #tpu.memory_space<vmem>>) target_semaphore(%run_scoped3A_27 : memref<!tpu.dma_semaphore, #tpu.memory_space<semaphore_mem>>)
          %dma_wait3A_30 = tpu.memref_slice %arg3[%add3A_22] : memref<323584xi32, #tpu.memory_space<hbm>> -> memref<128xi32, #tpu.memory_space<hbm>>
          %dma_wait3A_31 = tpu.memref_slice %arg3[%add3A_22] : memref<323584xi32, #tpu.memory_space<hbm>> -> memref<128xi32, #tpu.memory_space<hbm>>
          tpu.wait_dma2 semaphore(%run_scoped3A_27 : memref<!tpu.dma_semaphore, #tpu.memory_space<semaphore_mem>>) src(%dma_wait3A_31 : memref<128xi32, #tpu.memory_space<hbm>>) dst(%arg7 : memref<128xi32, #tpu.memory_space<vmem>>)
          tpu.yield
        }) : () -> ()
        "tpu.region"() ({
          %run_scoped3A_27 = tpu.sem_alloc : memref<!tpu.dma_semaphore, #tpu.memory_space<semaphore_mem>>
          %dma_start3A_28 = tpu.memref_slice %arg4[%add3A_22] : memref<323584xi32, #tpu.memory_space<hbm>> -> memref<128xi32, #tpu.memory_space<hbm>>
          %dma_start3A_29 = tpu.memref_slice %arg4[%add3A_22] : memref<323584xi32, #tpu.memory_space<hbm>> -> memref<128xi32, #tpu.memory_space<hbm>>
          tpu.enqueue_dma source(%dma_start3A_29 : memref<128xi32, #tpu.memory_space<hbm>>) target(%arg8 : memref<128xi32, #tpu.memory_space<vmem>>) target_semaphore(%run_scoped3A_27 : memref<!tpu.dma_semaphore, #tpu.memory_space<semaphore_mem>>)
          %dma_wait3A_30 = tpu.memref_slice %arg4[%add3A_22] : memref<323584xi32, #tpu.memory_space<hbm>> -> memref<128xi32, #tpu.memory_space<hbm>>
          %dma_wait3A_31 = tpu.memref_slice %arg4[%add3A_22] : memref<323584xi32, #tpu.memory_space<hbm>> -> memref<128xi32, #tpu.memory_space<hbm>>
          tpu.wait_dma2 semaphore(%run_scoped3A_27 : memref<!tpu.dma_semaphore, #tpu.memory_space<semaphore_mem>>) src(%dma_wait3A_31 : memref<128xi32, #tpu.memory_space<hbm>>) dst(%arg8 : memref<128xi32, #tpu.memory_space<vmem>>)
          tpu.yield
        }) : () -> ()
        %dma_start3A = arith.constant 0 : i32
        %dma_start3A_23 = arith.constant 0 : i32
        %dma_start3A_24 = tpu.memref_slice %arg2[%dma_start3A, %dma_start3A_23] : memref<10240x128xf32, #tpu.memory_space<hbm>> -> memref<10240x128xf32, #tpu.memory_space<hbm>>
        tpu.enqueue_indirect_dma source(%dma_start3A_24 : memref<10240x128xf32, #tpu.memory_space<hbm>>) target(%arg9 : memref<128x128xf32, #tpu.memory_space<vmem>>) offsets(%arg7 : memref<128xi32, #tpu.memory_space<vmem>>) semaphore(%arg11 : memref<!tpu.dma_semaphore, #tpu.memory_space<semaphore_mem>>)
        %dma_wait3A = arith.constant 0 : i32
        %dma_wait3A_25 = arith.constant 0 : i32
        %dma_wait3A_26 = tpu.memref_slice %arg2[%dma_wait3A, %dma_wait3A_25] : memref<10240x128xf32, #tpu.memory_space<hbm>> -> memref<10240x128xf32, #tpu.memory_space<hbm>>
        tpu.wait_indirect_dma semaphore(%arg11 : memref<!tpu.dma_semaphore, #tpu.memory_space<semaphore_mem>>) src(%dma_wait3A_26 : memref<10240x128xf32, #tpu.memory_space<hbm>>) dst(%arg9 : memref<128x128xf32, #tpu.memory_space<vmem>>)
        "tpu.region"() ({
          %run_scoped3A_27 = tpu.sem_alloc : memref<!tpu.dma_semaphore, #tpu.memory_space<semaphore_mem>>
          %dma_start3A_28 = arith.constant 0 : i32
          %dma_start3A_29 = arith.constant 0 : i32
          %dma_start3A_30 = tpu.memref_slice %arg10[%dma_start3A_28, %dma_start3A_29] : memref<10240x128xf32, #tpu.memory_space<vmem_shared>> -> memref<10240x128xf32, #tpu.memory_space<vmem_shared>>
          tpu.enqueue_indirect_dma source(%arg9 : memref<128x128xf32, #tpu.memory_space<vmem>>) target(%dma_start3A_30 : memref<10240x128xf32, #tpu.memory_space<vmem_shared>>) offsets(%arg8 : memref<128xi32, #tpu.memory_space<vmem>>) semaphore(%run_scoped3A_27 : memref<!tpu.dma_semaphore, #tpu.memory_space<semaphore_mem>>) {add = true}
          %dma_wait3A_31 = arith.constant 0 : i32
          %dma_wait3A_32 = arith.constant 0 : i32
          %dma_wait3A_33 = tpu.memref_slice %arg10[%dma_wait3A_31, %dma_wait3A_32] : memref<10240x128xf32, #tpu.memory_space<vmem_shared>> -> memref<10240x128xf32, #tpu.memory_space<vmem_shared>>
          tpu.wait_indirect_dma semaphore(%run_scoped3A_27 : memref<!tpu.dma_semaphore, #tpu.memory_space<semaphore_mem>>) src(%arg9 : memref<128x128xf32, #tpu.memory_space<vmem>>) dst(%dma_wait3A_33 : memref<10240x128xf32, #tpu.memory_space<vmem_shared>>)
          tpu.yield
        }) : () -> ()
      }
      %scan3A_17 = arith.constant 79 : i32
      %barrier3A_18 = arith.constant 0 : index
      tpu.barrier barrier_id(%barrier3A_18)
      %run_scoped3A = arith.constant 0 : i32
      "tpu.region"() ({
        %run_scoped3A_19 = tpu.sem_alloc : memref<!tpu.dma_semaphore, #tpu.memory_space<semaphore_mem>>
        %dma_start3A = arith.constant 0 : i32
        %dma_start3A_20 = tpu.memref_slice %arg6[%run_scoped3A, %mul3A_0, %dma_start3A] : memref<2x10240x128xf32, #tpu.memory_space<hbm>> -> memref<1x640x128xf32, #tpu.memory_space<hbm>>
        %dma_start3A_21 = tpu.memref_squeeze %dma_start3A_20 : memref<1x640x128xf32, #tpu.memory_space<hbm>> -> memref<640x128xf32, #tpu.memory_space<hbm>>
        %dma_start3A_22 = arith.constant 0 : i32
        %dma_start3A_23 = tpu.memref_slice %arg10[%mul3A_0, %dma_start3A_22] : memref<10240x128xf32, #tpu.memory_space<vmem_shared>> -> memref<640x128xf32, #tpu.memory_space<vmem_shared>>
        tpu.enqueue_dma source(%dma_start3A_23 : memref<640x128xf32, #tpu.memory_space<vmem_shared>>) target(%dma_start3A_21 : memref<640x128xf32, #tpu.memory_space<hbm>>) target_semaphore(%run_scoped3A_19 : memref<!tpu.dma_semaphore, #tpu.memory_space<semaphore_mem>>)
        %dma_wait3A = arith.constant 0 : i32
        %dma_wait3A_24 = tpu.memref_slice %arg6[%run_scoped3A, %mul3A_0, %dma_wait3A] : memref<2x10240x128xf32, #tpu.memory_space<hbm>> -> memref<1x640x128xf32, #tpu.memory_space<hbm>>
        %dma_wait3A_25 = tpu.memref_squeeze %dma_wait3A_24 : memref<1x640x128xf32, #tpu.memory_space<hbm>> -> memref<640x128xf32, #tpu.memory_space<hbm>>
        %dma_wait3A_26 = arith.constant 0 : i32
        %dma_wait3A_27 = tpu.memref_slice %arg10[%mul3A_0, %dma_wait3A_26] : memref<10240x128xf32, #tpu.memory_space<vmem_shared>> -> memref<640x128xf32, #tpu.memory_space<vmem_shared>>
        tpu.wait_dma2 semaphore(%run_scoped3A_19 : memref<!tpu.dma_semaphore, #tpu.memory_space<semaphore_mem>>) src(%dma_wait3A_27 : memref<640x128xf32, #tpu.memory_space<vmem_shared>>) dst(%dma_wait3A_25 : memref<640x128xf32, #tpu.memory_space<hbm>>)
        tpu.yield
      }) : () -> ()
    } else {
    }
    %eq3A_3 = arith.constant 1 : i32
    %eq3A_4 = arith.cmpi eq, %arg0, %eq3A_3 : i32
    %convert_element_type3A_5 = arith.extui %eq3A_4 : i1 to i32
    %cond3A_6 = arith.constant 0 : i32
    %cond3A_7 = arith.cmpi ne, %convert_element_type3A_5, %cond3A_6 : i32
    scf.if %cond3A_7 {
      "tpu.region"() ({
        %run_scoped3A_19 = tpu.sem_alloc : memref<!tpu.dma_semaphore, #tpu.memory_space<semaphore_mem>>
        %dma_start3A = arith.constant 0 : i32
        %dma_start3A_20 = tpu.memref_slice %arg10[%mul3A_0, %dma_start3A] : memref<10240x128xf32, #tpu.memory_space<vmem_shared>> -> memref<640x128xf32, #tpu.memory_space<vmem_shared>>
        %dma_start3A_21 = arith.constant 0 : i32
        %dma_start3A_22 = tpu.memref_slice %arg5[%mul3A_0, %dma_start3A_21] : memref<10240x128xf32, #tpu.memory_space<hbm>> -> memref<640x128xf32, #tpu.memory_space<hbm>>
        tpu.enqueue_dma source(%dma_start3A_22 : memref<640x128xf32, #tpu.memory_space<hbm>>) target(%dma_start3A_20 : memref<640x128xf32, #tpu.memory_space<vmem_shared>>) target_semaphore(%run_scoped3A_19 : memref<!tpu.dma_semaphore, #tpu.memory_space<semaphore_mem>>)
        %dma_wait3A = arith.constant 0 : i32
        %dma_wait3A_23 = tpu.memref_slice %arg10[%mul3A_0, %dma_wait3A] : memref<10240x128xf32, #tpu.memory_space<vmem_shared>> -> memref<640x128xf32, #tpu.memory_space<vmem_shared>>
        %dma_wait3A_24 = arith.constant 0 : i32
        %dma_wait3A_25 = tpu.memref_slice %arg5[%mul3A_0, %dma_wait3A_24] : memref<10240x128xf32, #tpu.memory_space<hbm>> -> memref<640x128xf32, #tpu.memory_space<hbm>>
        tpu.wait_dma2 semaphore(%run_scoped3A_19 : memref<!tpu.dma_semaphore, #tpu.memory_space<semaphore_mem>>) src(%dma_wait3A_25 : memref<640x128xf32, #tpu.memory_space<hbm>>) dst(%dma_wait3A_23 : memref<640x128xf32, #tpu.memory_space<vmem_shared>>)
        tpu.yield
      }) : () -> ()
      %barrier3A = arith.constant 0 : index
      tpu.barrier barrier_id(%barrier3A)
      %mul3A_8 = arith.constant 2 : i32
      %mul3A_9 = arith.muli %arg1, %mul3A_8 : i32
      %add3A = arith.constant 1 : i32
      %add3A_10 = arith.addi %mul3A_9, %add3A : i32
      %mul3A_11 = arith.constant 10112 : i32
      %mul3A_12 = arith.muli %add3A_10, %mul3A_11 : i32
      %scan3A = arith.constant 0 : i32
      %scan3A_13 = arith.constant 0 : i32
      %scan3A_14 = arith.constant 79 : i32
      %scan3A_15 = arith.addi %scan3A_13, %scan3A_14 : i32
      %scan3A_16 = arith.constant 1 : i32
      scf.for %scan3A_19 = %scan3A_13 to %scan3A_15 step %scan3A_16  : i32 {
        %mul3A_20 = arith.constant 128 : i32
        %mul3A_21 = arith.muli %scan3A_19, %mul3A_20 : i32
        %add3A_22 = arith.addi %mul3A_12, %mul3A_21 : i32
        "tpu.region"() ({
          %run_scoped3A_27 = tpu.sem_alloc : memref<!tpu.dma_semaphore, #tpu.memory_space<semaphore_mem>>
          %dma_start3A_28 = tpu.memref_slice %arg3[%add3A_22] : memref<323584xi32, #tpu.memory_space<hbm>> -> memref<128xi32, #tpu.memory_space<hbm>>
          %dma_start3A_29 = tpu.memref_slice %arg3[%add3A_22] : memref<323584xi32, #tpu.memory_space<hbm>> -> memref<128xi32, #tpu.memory_space<hbm>>
          tpu.enqueue_dma source(%dma_start3A_29 : memref<128xi32, #tpu.memory_space<hbm>>) target(%arg7 : memref<128xi32, #tpu.memory_space<vmem>>) target_semaphore(%run_scoped3A_27 : memref<!tpu.dma_semaphore, #tpu.memory_space<semaphore_mem>>)
          %dma_wait3A_30 = tpu.memref_slice %arg3[%add3A_22] : memref<323584xi32, #tpu.memory_space<hbm>> -> memref<128xi32, #tpu.memory_space<hbm>>
          %dma_wait3A_31 = tpu.memref_slice %arg3[%add3A_22] : memref<323584xi32, #tpu.memory_space<hbm>> -> memref<128xi32, #tpu.memory_space<hbm>>
          tpu.wait_dma2 semaphore(%run_scoped3A_27 : memref<!tpu.dma_semaphore, #tpu.memory_space<semaphore_mem>>) src(%dma_wait3A_31 : memref<128xi32, #tpu.memory_space<hbm>>) dst(%arg7 : memref<128xi32, #tpu.memory_space<vmem>>)
          tpu.yield
        }) : () -> ()
        "tpu.region"() ({
          %run_scoped3A_27 = tpu.sem_alloc : memref<!tpu.dma_semaphore, #tpu.memory_space<semaphore_mem>>
          %dma_start3A_28 = tpu.memref_slice %arg4[%add3A_22] : memref<323584xi32, #tpu.memory_space<hbm>> -> memref<128xi32, #tpu.memory_space<hbm>>
          %dma_start3A_29 = tpu.memref_slice %arg4[%add3A_22] : memref<323584xi32, #tpu.memory_space<hbm>> -> memref<128xi32, #tpu.memory_space<hbm>>
          tpu.enqueue_dma source(%dma_start3A_29 : memref<128xi32, #tpu.memory_space<hbm>>) target(%arg8 : memref<128xi32, #tpu.memory_space<vmem>>) target_semaphore(%run_scoped3A_27 : memref<!tpu.dma_semaphore, #tpu.memory_space<semaphore_mem>>)
          %dma_wait3A_30 = tpu.memref_slice %arg4[%add3A_22] : memref<323584xi32, #tpu.memory_space<hbm>> -> memref<128xi32, #tpu.memory_space<hbm>>
          %dma_wait3A_31 = tpu.memref_slice %arg4[%add3A_22] : memref<323584xi32, #tpu.memory_space<hbm>> -> memref<128xi32, #tpu.memory_space<hbm>>
          tpu.wait_dma2 semaphore(%run_scoped3A_27 : memref<!tpu.dma_semaphore, #tpu.memory_space<semaphore_mem>>) src(%dma_wait3A_31 : memref<128xi32, #tpu.memory_space<hbm>>) dst(%arg8 : memref<128xi32, #tpu.memory_space<vmem>>)
          tpu.yield
        }) : () -> ()
        %dma_start3A = arith.constant 0 : i32
        %dma_start3A_23 = arith.constant 0 : i32
        %dma_start3A_24 = tpu.memref_slice %arg2[%dma_start3A, %dma_start3A_23] : memref<10240x128xf32, #tpu.memory_space<hbm>> -> memref<10240x128xf32, #tpu.memory_space<hbm>>
        tpu.enqueue_indirect_dma source(%dma_start3A_24 : memref<10240x128xf32, #tpu.memory_space<hbm>>) target(%arg9 : memref<128x128xf32, #tpu.memory_space<vmem>>) offsets(%arg7 : memref<128xi32, #tpu.memory_space<vmem>>) semaphore(%arg11 : memref<!tpu.dma_semaphore, #tpu.memory_space<semaphore_mem>>)
        %dma_wait3A = arith.constant 0 : i32
        %dma_wait3A_25 = arith.constant 0 : i32
        %dma_wait3A_26 = tpu.memref_slice %arg2[%dma_wait3A, %dma_wait3A_25] : memref<10240x128xf32, #tpu.memory_space<hbm>> -> memref<10240x128xf32, #tpu.memory_space<hbm>>
        tpu.wait_indirect_dma semaphore(%arg11 : memref<!tpu.dma_semaphore, #tpu.memory_space<semaphore_mem>>) src(%dma_wait3A_26 : memref<10240x128xf32, #tpu.memory_space<hbm>>) dst(%arg9 : memref<128x128xf32, #tpu.memory_space<vmem>>)
        "tpu.region"() ({
          %run_scoped3A_27 = tpu.sem_alloc : memref<!tpu.dma_semaphore, #tpu.memory_space<semaphore_mem>>
          %dma_start3A_28 = arith.constant 0 : i32
          %dma_start3A_29 = arith.constant 0 : i32
          %dma_start3A_30 = tpu.memref_slice %arg10[%dma_start3A_28, %dma_start3A_29] : memref<10240x128xf32, #tpu.memory_space<vmem_shared>> -> memref<10240x128xf32, #tpu.memory_space<vmem_shared>>
          tpu.enqueue_indirect_dma source(%arg9 : memref<128x128xf32, #tpu.memory_space<vmem>>) target(%dma_start3A_30 : memref<10240x128xf32, #tpu.memory_space<vmem_shared>>) offsets(%arg8 : memref<128xi32, #tpu.memory_space<vmem>>) semaphore(%run_scoped3A_27 : memref<!tpu.dma_semaphore, #tpu.memory_space<semaphore_mem>>) {add = true}
          %dma_wait3A_31 = arith.constant 0 : i32
          %dma_wait3A_32 = arith.constant 0 : i32
          %dma_wait3A_33 = tpu.memref_slice %arg10[%dma_wait3A_31, %dma_wait3A_32] : memref<10240x128xf32, #tpu.memory_space<vmem_shared>> -> memref<10240x128xf32, #tpu.memory_space<vmem_shared>>
          tpu.wait_indirect_dma semaphore(%run_scoped3A_27 : memref<!tpu.dma_semaphore, #tpu.memory_space<semaphore_mem>>) src(%arg9 : memref<128x128xf32, #tpu.memory_space<vmem>>) dst(%dma_wait3A_33 : memref<10240x128xf32, #tpu.memory_space<vmem_shared>>)
          tpu.yield
        }) : () -> ()
      }
      %scan3A_17 = arith.constant 79 : i32
      %barrier3A_18 = arith.constant 0 : index
      tpu.barrier barrier_id(%barrier3A_18)
      %run_scoped3A = arith.constant 1 : i32
      "tpu.region"() ({
        %run_scoped3A_19 = tpu.sem_alloc : memref<!tpu.dma_semaphore, #tpu.memory_space<semaphore_mem>>
        %dma_start3A = arith.constant 0 : i32
        %dma_start3A_20 = tpu.memref_slice %arg6[%run_scoped3A, %mul3A_0, %dma_start3A] : memref<2x10240x128xf32, #tpu.memory_space<hbm>> -> memref<1x640x128xf32, #tpu.memory_space<hbm>>
        %dma_start3A_21 = tpu.memref_squeeze %dma_start3A_20 : memref<1x640x128xf32, #tpu.memory_space<hbm>> -> memref<640x128xf32, #tpu.memory_space<hbm>>
        %dma_start3A_22 = arith.constant 0 : i32
        %dma_start3A_23 = tpu.memref_slice %arg10[%mul3A_0, %dma_start3A_22] : memref<10240x128xf32, #tpu.memory_space<vmem_shared>> -> memref<640x128xf32, #tpu.memory_space<vmem_shared>>
        tpu.enqueue_dma source(%dma_start3A_23 : memref<640x128xf32, #tpu.memory_space<vmem_shared>>) target(%dma_start3A_21 : memref<640x128xf32, #tpu.memory_space<hbm>>) target_semaphore(%run_scoped3A_19 : memref<!tpu.dma_semaphore, #tpu.memory_space<semaphore_mem>>)
        %dma_wait3A = arith.constant 0 : i32
        %dma_wait3A_24 = tpu.memref_slice %arg6[%run_scoped3A, %mul3A_0, %dma_wait3A] : memref<2x10240x128xf32, #tpu.memory_space<hbm>> -> memref<1x640x128xf32, #tpu.memory_space<hbm>>
        %dma_wait3A_25 = tpu.memref_squeeze %dma_wait3A_24 : memref<1x640x128xf32, #tpu.memory_space<hbm>> -> memref<640x128xf32, #tpu.memory_space<hbm>>
        %dma_wait3A_26 = arith.constant 0 : i32
        %dma_wait3A_27 = tpu.memref_slice %arg10[%mul3A_0, %dma_wait3A_26] : memref<10240x128xf32, #tpu.memory_space<vmem_shared>> -> memref<640x128xf32, #tpu.memory_space<vmem_shared>>
        tpu.wait_dma2 semaphore(%run_scoped3A_19 : memref<!tpu.dma_semaphore, #tpu.memory_space<semaphore_mem>>) src(%dma_wait3A_27 : memref<640x128xf32, #tpu.memory_space<vmem_shared>>) dst(%dma_wait3A_25 : memref<640x128xf32, #tpu.memory_space<hbm>>)
        tpu.yield
      }) : () -> ()
    } else {
    }
    return
  }
}

#map = affine_map<(d0, d1) -> (0, 0)>
#map1 = affine_map<(d0, d1) -> (0)>
#map2 = affine_map<(d0, d1) -> (0, 0, 0)>
module attributes {stable_mosaic.version = 14 : i64} {
  func.func @agg(%arg0: i32, %arg1: i32, %arg2: memref<10240x128xf32, #tpu.memory_space<hbm>>, %arg3: memref<10240x128xf32, #tpu.memory_space<hbm>>, %arg4: memref<323584xi32, #tpu.memory_space<hbm>>, %arg5: memref<323584xi32, #tpu.memory_space<hbm>>, %arg6: memref<10240x128xf32, #tpu.memory_space<hbm>>, %arg7: memref<2x10240x128xf32, #tpu.memory_space<hbm>>, %arg8: memref<128xi32, #tpu.memory_space<vmem>>, %arg9: memref<128xi32, #tpu.memory_space<vmem>>, %arg10: memref<128x128xf32, #tpu.memory_space<vmem>>, %arg11: memref<10240x128xf32, #tpu.memory_space<vmem_shared>>, %arg12: memref<!tpu.dma_semaphore, #tpu.memory_space<semaphore_mem>>) attributes {dimension_semantics = [#tpu.dimension_semantics<core_parallel>, #tpu.dimension_semantics<subcore_parallel>], iteration_bounds = array<i64: 2, 16>, scalar_prefetch = 0 : i64, scratch_operands = 5 : i64, tpu.core_type = #tpu.core_type<sc_vector_subcore>, window_params = [{transform_indices = #map}, {transform_indices = #map}, {transform_indices = #map1}, {transform_indices = #map1}, {transform_indices = #map}, {transform_indices = #map2}]} {
    %mul3A = arith.constant 640 : i32
    %mul3A_0 = arith.muli %arg1, %mul3A : i32
    %eq3A = arith.constant 0 : i32
    %eq3A_1 = arith.cmpi eq, %arg0, %eq3A : i32
    %convert_element_type3A = arith.extui %eq3A_1 : i1 to i32
    %cond3A = arith.constant 0 : i32
    %cond3A_2 = arith.cmpi ne, %convert_element_type3A, %cond3A : i32
    scf.if %cond3A_2 {
      "tpu.region"() ({
        %run_scoped3A_16 = tpu.sem_alloc : memref<!tpu.dma_semaphore, #tpu.memory_space<semaphore_mem>>
        %dma_start3A = arith.constant 0 : i32
        %dma_start3A_17 = tpu.memref_slice %arg11[%mul3A_0, %dma_start3A] : memref<10240x128xf32, #tpu.memory_space<vmem_shared>> -> memref<640x128xf32, #tpu.memory_space<vmem_shared>>
        %dma_start3A_18 = arith.constant 0 : i32
        %dma_start3A_19 = tpu.memref_slice %arg6[%mul3A_0, %dma_start3A_18] : memref<10240x128xf32, #tpu.memory_space<hbm>> -> memref<640x128xf32, #tpu.memory_space<hbm>>
        tpu.enqueue_dma source(%dma_start3A_19 : memref<640x128xf32, #tpu.memory_space<hbm>>) target(%dma_start3A_17 : memref<640x128xf32, #tpu.memory_space<vmem_shared>>) target_semaphore(%run_scoped3A_16 : memref<!tpu.dma_semaphore, #tpu.memory_space<semaphore_mem>>)
        %dma_wait3A = arith.constant 0 : i32
        %dma_wait3A_20 = tpu.memref_slice %arg11[%mul3A_0, %dma_wait3A] : memref<10240x128xf32, #tpu.memory_space<vmem_shared>> -> memref<640x128xf32, #tpu.memory_space<vmem_shared>>
        %dma_wait3A_21 = arith.constant 0 : i32
        %dma_wait3A_22 = tpu.memref_slice %arg6[%mul3A_0, %dma_wait3A_21] : memref<10240x128xf32, #tpu.memory_space<hbm>> -> memref<640x128xf32, #tpu.memory_space<hbm>>
        tpu.wait_dma2 semaphore(%run_scoped3A_16 : memref<!tpu.dma_semaphore, #tpu.memory_space<semaphore_mem>>) src(%dma_wait3A_22 : memref<640x128xf32, #tpu.memory_space<hbm>>) dst(%dma_wait3A_20 : memref<640x128xf32, #tpu.memory_space<vmem_shared>>)
        tpu.yield
      }) : () -> ()
      %barrier3A = arith.constant 0 : index
      tpu.barrier barrier_id(%barrier3A)
      %mul3A_8 = arith.constant 20096 : i32
      %mul3A_9 = arith.muli %arg1, %mul3A_8 : i32
      %scan3A = arith.constant 0 : i32
      %scan3A_10 = arith.constant 0 : i32
      %scan3A_11 = arith.constant 157 : i32
      %scan3A_12 = arith.addi %scan3A_10, %scan3A_11 : i32
      %scan3A_13 = arith.constant 1 : i32
      scf.for %scan3A_16 = %scan3A_10 to %scan3A_12 step %scan3A_13  : i32 {
        %mul3A_17 = arith.constant 128 : i32
        %mul3A_18 = arith.muli %scan3A_16, %mul3A_17 : i32
        %add3A = arith.addi %mul3A_9, %mul3A_18 : i32
        "tpu.region"() ({
          %run_scoped3A_23 = tpu.sem_alloc : memref<!tpu.dma_semaphore, #tpu.memory_space<semaphore_mem>>
          %dma_start3A_24 = tpu.memref_slice %arg4[%add3A] : memref<323584xi32, #tpu.memory_space<hbm>> -> memref<128xi32, #tpu.memory_space<hbm>>
          %dma_start3A_25 = tpu.memref_slice %arg4[%add3A] : memref<323584xi32, #tpu.memory_space<hbm>> -> memref<128xi32, #tpu.memory_space<hbm>>
          tpu.enqueue_dma source(%dma_start3A_25 : memref<128xi32, #tpu.memory_space<hbm>>) target(%arg8 : memref<128xi32, #tpu.memory_space<vmem>>) target_semaphore(%run_scoped3A_23 : memref<!tpu.dma_semaphore, #tpu.memory_space<semaphore_mem>>)
          %dma_wait3A_26 = tpu.memref_slice %arg4[%add3A] : memref<323584xi32, #tpu.memory_space<hbm>> -> memref<128xi32, #tpu.memory_space<hbm>>
          %dma_wait3A_27 = tpu.memref_slice %arg4[%add3A] : memref<323584xi32, #tpu.memory_space<hbm>> -> memref<128xi32, #tpu.memory_space<hbm>>
          tpu.wait_dma2 semaphore(%run_scoped3A_23 : memref<!tpu.dma_semaphore, #tpu.memory_space<semaphore_mem>>) src(%dma_wait3A_27 : memref<128xi32, #tpu.memory_space<hbm>>) dst(%arg8 : memref<128xi32, #tpu.memory_space<vmem>>)
          tpu.yield
        }) : () -> ()
        "tpu.region"() ({
          %run_scoped3A_23 = tpu.sem_alloc : memref<!tpu.dma_semaphore, #tpu.memory_space<semaphore_mem>>
          %dma_start3A_24 = tpu.memref_slice %arg5[%add3A] : memref<323584xi32, #tpu.memory_space<hbm>> -> memref<128xi32, #tpu.memory_space<hbm>>
          %dma_start3A_25 = tpu.memref_slice %arg5[%add3A] : memref<323584xi32, #tpu.memory_space<hbm>> -> memref<128xi32, #tpu.memory_space<hbm>>
          tpu.enqueue_dma source(%dma_start3A_25 : memref<128xi32, #tpu.memory_space<hbm>>) target(%arg9 : memref<128xi32, #tpu.memory_space<vmem>>) target_semaphore(%run_scoped3A_23 : memref<!tpu.dma_semaphore, #tpu.memory_space<semaphore_mem>>)
          %dma_wait3A_26 = tpu.memref_slice %arg5[%add3A] : memref<323584xi32, #tpu.memory_space<hbm>> -> memref<128xi32, #tpu.memory_space<hbm>>
          %dma_wait3A_27 = tpu.memref_slice %arg5[%add3A] : memref<323584xi32, #tpu.memory_space<hbm>> -> memref<128xi32, #tpu.memory_space<hbm>>
          tpu.wait_dma2 semaphore(%run_scoped3A_23 : memref<!tpu.dma_semaphore, #tpu.memory_space<semaphore_mem>>) src(%dma_wait3A_27 : memref<128xi32, #tpu.memory_space<hbm>>) dst(%arg9 : memref<128xi32, #tpu.memory_space<vmem>>)
          tpu.yield
        }) : () -> ()
        %dma_start3A = arith.constant 0 : i32
        %dma_start3A_19 = arith.constant 0 : i32
        %dma_start3A_20 = tpu.memref_slice %arg2[%dma_start3A, %dma_start3A_19] : memref<10240x128xf32, #tpu.memory_space<hbm>> -> memref<10240x128xf32, #tpu.memory_space<hbm>>
        tpu.enqueue_indirect_dma source(%dma_start3A_20 : memref<10240x128xf32, #tpu.memory_space<hbm>>) target(%arg10 : memref<128x128xf32, #tpu.memory_space<vmem>>) offsets(%arg8 : memref<128xi32, #tpu.memory_space<vmem>>) semaphore(%arg12 : memref<!tpu.dma_semaphore, #tpu.memory_space<semaphore_mem>>)
        %dma_wait3A = arith.constant 0 : i32
        %dma_wait3A_21 = arith.constant 0 : i32
        %dma_wait3A_22 = tpu.memref_slice %arg2[%dma_wait3A, %dma_wait3A_21] : memref<10240x128xf32, #tpu.memory_space<hbm>> -> memref<10240x128xf32, #tpu.memory_space<hbm>>
        tpu.wait_indirect_dma semaphore(%arg12 : memref<!tpu.dma_semaphore, #tpu.memory_space<semaphore_mem>>) src(%dma_wait3A_22 : memref<10240x128xf32, #tpu.memory_space<hbm>>) dst(%arg10 : memref<128x128xf32, #tpu.memory_space<vmem>>)
        "tpu.region"() ({
          %run_scoped3A_23 = tpu.sem_alloc : memref<!tpu.dma_semaphore, #tpu.memory_space<semaphore_mem>>
          %dma_start3A_24 = arith.constant 0 : i32
          %dma_start3A_25 = arith.constant 0 : i32
          %dma_start3A_26 = tpu.memref_slice %arg11[%dma_start3A_24, %dma_start3A_25] : memref<10240x128xf32, #tpu.memory_space<vmem_shared>> -> memref<10240x128xf32, #tpu.memory_space<vmem_shared>>
          tpu.enqueue_indirect_dma source(%arg10 : memref<128x128xf32, #tpu.memory_space<vmem>>) target(%dma_start3A_26 : memref<10240x128xf32, #tpu.memory_space<vmem_shared>>) offsets(%arg9 : memref<128xi32, #tpu.memory_space<vmem>>) semaphore(%run_scoped3A_23 : memref<!tpu.dma_semaphore, #tpu.memory_space<semaphore_mem>>) {add = true}
          %dma_wait3A_27 = arith.constant 0 : i32
          %dma_wait3A_28 = arith.constant 0 : i32
          %dma_wait3A_29 = tpu.memref_slice %arg11[%dma_wait3A_27, %dma_wait3A_28] : memref<10240x128xf32, #tpu.memory_space<vmem_shared>> -> memref<10240x128xf32, #tpu.memory_space<vmem_shared>>
          tpu.wait_indirect_dma semaphore(%run_scoped3A_23 : memref<!tpu.dma_semaphore, #tpu.memory_space<semaphore_mem>>) src(%arg10 : memref<128x128xf32, #tpu.memory_space<vmem>>) dst(%dma_wait3A_29 : memref<10240x128xf32, #tpu.memory_space<vmem_shared>>)
          tpu.yield
        }) : () -> ()
      }
      %scan3A_14 = arith.constant 157 : i32
      %barrier3A_15 = arith.constant 0 : index
      tpu.barrier barrier_id(%barrier3A_15)
      %run_scoped3A = arith.constant 0 : i32
      "tpu.region"() ({
        %run_scoped3A_16 = tpu.sem_alloc : memref<!tpu.dma_semaphore, #tpu.memory_space<semaphore_mem>>
        %dma_start3A = arith.constant 0 : i32
        %dma_start3A_17 = tpu.memref_slice %arg7[%run_scoped3A, %mul3A_0, %dma_start3A] : memref<2x10240x128xf32, #tpu.memory_space<hbm>> -> memref<1x640x128xf32, #tpu.memory_space<hbm>>
        %dma_start3A_18 = tpu.memref_squeeze %dma_start3A_17 : memref<1x640x128xf32, #tpu.memory_space<hbm>> -> memref<640x128xf32, #tpu.memory_space<hbm>>
        %dma_start3A_19 = arith.constant 0 : i32
        %dma_start3A_20 = tpu.memref_slice %arg11[%mul3A_0, %dma_start3A_19] : memref<10240x128xf32, #tpu.memory_space<vmem_shared>> -> memref<640x128xf32, #tpu.memory_space<vmem_shared>>
        tpu.enqueue_dma source(%dma_start3A_20 : memref<640x128xf32, #tpu.memory_space<vmem_shared>>) target(%dma_start3A_18 : memref<640x128xf32, #tpu.memory_space<hbm>>) target_semaphore(%run_scoped3A_16 : memref<!tpu.dma_semaphore, #tpu.memory_space<semaphore_mem>>)
        %dma_wait3A = arith.constant 0 : i32
        %dma_wait3A_21 = tpu.memref_slice %arg7[%run_scoped3A, %mul3A_0, %dma_wait3A] : memref<2x10240x128xf32, #tpu.memory_space<hbm>> -> memref<1x640x128xf32, #tpu.memory_space<hbm>>
        %dma_wait3A_22 = tpu.memref_squeeze %dma_wait3A_21 : memref<1x640x128xf32, #tpu.memory_space<hbm>> -> memref<640x128xf32, #tpu.memory_space<hbm>>
        %dma_wait3A_23 = arith.constant 0 : i32
        %dma_wait3A_24 = tpu.memref_slice %arg11[%mul3A_0, %dma_wait3A_23] : memref<10240x128xf32, #tpu.memory_space<vmem_shared>> -> memref<640x128xf32, #tpu.memory_space<vmem_shared>>
        tpu.wait_dma2 semaphore(%run_scoped3A_16 : memref<!tpu.dma_semaphore, #tpu.memory_space<semaphore_mem>>) src(%dma_wait3A_24 : memref<640x128xf32, #tpu.memory_space<vmem_shared>>) dst(%dma_wait3A_22 : memref<640x128xf32, #tpu.memory_space<hbm>>)
        tpu.yield
      }) : () -> ()
    } else {
    }
    %eq3A_3 = arith.constant 1 : i32
    %eq3A_4 = arith.cmpi eq, %arg0, %eq3A_3 : i32
    %convert_element_type3A_5 = arith.extui %eq3A_4 : i1 to i32
    %cond3A_6 = arith.constant 0 : i32
    %cond3A_7 = arith.cmpi ne, %convert_element_type3A_5, %cond3A_6 : i32
    scf.if %cond3A_7 {
      "tpu.region"() ({
        %run_scoped3A_16 = tpu.sem_alloc : memref<!tpu.dma_semaphore, #tpu.memory_space<semaphore_mem>>
        %dma_start3A = arith.constant 0 : i32
        %dma_start3A_17 = tpu.memref_slice %arg11[%mul3A_0, %dma_start3A] : memref<10240x128xf32, #tpu.memory_space<vmem_shared>> -> memref<640x128xf32, #tpu.memory_space<vmem_shared>>
        %dma_start3A_18 = arith.constant 0 : i32
        %dma_start3A_19 = tpu.memref_slice %arg6[%mul3A_0, %dma_start3A_18] : memref<10240x128xf32, #tpu.memory_space<hbm>> -> memref<640x128xf32, #tpu.memory_space<hbm>>
        tpu.enqueue_dma source(%dma_start3A_19 : memref<640x128xf32, #tpu.memory_space<hbm>>) target(%dma_start3A_17 : memref<640x128xf32, #tpu.memory_space<vmem_shared>>) target_semaphore(%run_scoped3A_16 : memref<!tpu.dma_semaphore, #tpu.memory_space<semaphore_mem>>)
        %dma_wait3A = arith.constant 0 : i32
        %dma_wait3A_20 = tpu.memref_slice %arg11[%mul3A_0, %dma_wait3A] : memref<10240x128xf32, #tpu.memory_space<vmem_shared>> -> memref<640x128xf32, #tpu.memory_space<vmem_shared>>
        %dma_wait3A_21 = arith.constant 0 : i32
        %dma_wait3A_22 = tpu.memref_slice %arg6[%mul3A_0, %dma_wait3A_21] : memref<10240x128xf32, #tpu.memory_space<hbm>> -> memref<640x128xf32, #tpu.memory_space<hbm>>
        tpu.wait_dma2 semaphore(%run_scoped3A_16 : memref<!tpu.dma_semaphore, #tpu.memory_space<semaphore_mem>>) src(%dma_wait3A_22 : memref<640x128xf32, #tpu.memory_space<hbm>>) dst(%dma_wait3A_20 : memref<640x128xf32, #tpu.memory_space<vmem_shared>>)
        tpu.yield
      }) : () -> ()
      %barrier3A = arith.constant 0 : index
      tpu.barrier barrier_id(%barrier3A)
      %mul3A_8 = arith.constant 20096 : i32
      %mul3A_9 = arith.muli %arg1, %mul3A_8 : i32
      %scan3A = arith.constant 0 : i32
      %scan3A_10 = arith.constant 0 : i32
      %scan3A_11 = arith.constant 157 : i32
      %scan3A_12 = arith.addi %scan3A_10, %scan3A_11 : i32
      %scan3A_13 = arith.constant 1 : i32
      scf.for %scan3A_16 = %scan3A_10 to %scan3A_12 step %scan3A_13  : i32 {
        %mul3A_17 = arith.constant 128 : i32
        %mul3A_18 = arith.muli %scan3A_16, %mul3A_17 : i32
        %add3A = arith.addi %mul3A_9, %mul3A_18 : i32
        "tpu.region"() ({
          %run_scoped3A_23 = tpu.sem_alloc : memref<!tpu.dma_semaphore, #tpu.memory_space<semaphore_mem>>
          %dma_start3A_24 = tpu.memref_slice %arg4[%add3A] : memref<323584xi32, #tpu.memory_space<hbm>> -> memref<128xi32, #tpu.memory_space<hbm>>
          %dma_start3A_25 = tpu.memref_slice %arg4[%add3A] : memref<323584xi32, #tpu.memory_space<hbm>> -> memref<128xi32, #tpu.memory_space<hbm>>
          tpu.enqueue_dma source(%dma_start3A_25 : memref<128xi32, #tpu.memory_space<hbm>>) target(%arg8 : memref<128xi32, #tpu.memory_space<vmem>>) target_semaphore(%run_scoped3A_23 : memref<!tpu.dma_semaphore, #tpu.memory_space<semaphore_mem>>)
          %dma_wait3A_26 = tpu.memref_slice %arg4[%add3A] : memref<323584xi32, #tpu.memory_space<hbm>> -> memref<128xi32, #tpu.memory_space<hbm>>
          %dma_wait3A_27 = tpu.memref_slice %arg4[%add3A] : memref<323584xi32, #tpu.memory_space<hbm>> -> memref<128xi32, #tpu.memory_space<hbm>>
          tpu.wait_dma2 semaphore(%run_scoped3A_23 : memref<!tpu.dma_semaphore, #tpu.memory_space<semaphore_mem>>) src(%dma_wait3A_27 : memref<128xi32, #tpu.memory_space<hbm>>) dst(%arg8 : memref<128xi32, #tpu.memory_space<vmem>>)
          tpu.yield
        }) : () -> ()
        "tpu.region"() ({
          %run_scoped3A_23 = tpu.sem_alloc : memref<!tpu.dma_semaphore, #tpu.memory_space<semaphore_mem>>
          %dma_start3A_24 = tpu.memref_slice %arg5[%add3A] : memref<323584xi32, #tpu.memory_space<hbm>> -> memref<128xi32, #tpu.memory_space<hbm>>
          %dma_start3A_25 = tpu.memref_slice %arg5[%add3A] : memref<323584xi32, #tpu.memory_space<hbm>> -> memref<128xi32, #tpu.memory_space<hbm>>
          tpu.enqueue_dma source(%dma_start3A_25 : memref<128xi32, #tpu.memory_space<hbm>>) target(%arg9 : memref<128xi32, #tpu.memory_space<vmem>>) target_semaphore(%run_scoped3A_23 : memref<!tpu.dma_semaphore, #tpu.memory_space<semaphore_mem>>)
          %dma_wait3A_26 = tpu.memref_slice %arg5[%add3A] : memref<323584xi32, #tpu.memory_space<hbm>> -> memref<128xi32, #tpu.memory_space<hbm>>
          %dma_wait3A_27 = tpu.memref_slice %arg5[%add3A] : memref<323584xi32, #tpu.memory_space<hbm>> -> memref<128xi32, #tpu.memory_space<hbm>>
          tpu.wait_dma2 semaphore(%run_scoped3A_23 : memref<!tpu.dma_semaphore, #tpu.memory_space<semaphore_mem>>) src(%dma_wait3A_27 : memref<128xi32, #tpu.memory_space<hbm>>) dst(%arg9 : memref<128xi32, #tpu.memory_space<vmem>>)
          tpu.yield
        }) : () -> ()
        %dma_start3A = arith.constant 0 : i32
        %dma_start3A_19 = arith.constant 0 : i32
        %dma_start3A_20 = tpu.memref_slice %arg3[%dma_start3A, %dma_start3A_19] : memref<10240x128xf32, #tpu.memory_space<hbm>> -> memref<10240x128xf32, #tpu.memory_space<hbm>>
        tpu.enqueue_indirect_dma source(%dma_start3A_20 : memref<10240x128xf32, #tpu.memory_space<hbm>>) target(%arg10 : memref<128x128xf32, #tpu.memory_space<vmem>>) offsets(%arg8 : memref<128xi32, #tpu.memory_space<vmem>>) semaphore(%arg12 : memref<!tpu.dma_semaphore, #tpu.memory_space<semaphore_mem>>)
        %dma_wait3A = arith.constant 0 : i32
        %dma_wait3A_21 = arith.constant 0 : i32
        %dma_wait3A_22 = tpu.memref_slice %arg3[%dma_wait3A, %dma_wait3A_21] : memref<10240x128xf32, #tpu.memory_space<hbm>> -> memref<10240x128xf32, #tpu.memory_space<hbm>>
        tpu.wait_indirect_dma semaphore(%arg12 : memref<!tpu.dma_semaphore, #tpu.memory_space<semaphore_mem>>) src(%dma_wait3A_22 : memref<10240x128xf32, #tpu.memory_space<hbm>>) dst(%arg10 : memref<128x128xf32, #tpu.memory_space<vmem>>)
        "tpu.region"() ({
          %run_scoped3A_23 = tpu.sem_alloc : memref<!tpu.dma_semaphore, #tpu.memory_space<semaphore_mem>>
          %dma_start3A_24 = arith.constant 0 : i32
          %dma_start3A_25 = arith.constant 0 : i32
          %dma_start3A_26 = tpu.memref_slice %arg11[%dma_start3A_24, %dma_start3A_25] : memref<10240x128xf32, #tpu.memory_space<vmem_shared>> -> memref<10240x128xf32, #tpu.memory_space<vmem_shared>>
          tpu.enqueue_indirect_dma source(%arg10 : memref<128x128xf32, #tpu.memory_space<vmem>>) target(%dma_start3A_26 : memref<10240x128xf32, #tpu.memory_space<vmem_shared>>) offsets(%arg9 : memref<128xi32, #tpu.memory_space<vmem>>) semaphore(%run_scoped3A_23 : memref<!tpu.dma_semaphore, #tpu.memory_space<semaphore_mem>>) {add = true}
          %dma_wait3A_27 = arith.constant 0 : i32
          %dma_wait3A_28 = arith.constant 0 : i32
          %dma_wait3A_29 = tpu.memref_slice %arg11[%dma_wait3A_27, %dma_wait3A_28] : memref<10240x128xf32, #tpu.memory_space<vmem_shared>> -> memref<10240x128xf32, #tpu.memory_space<vmem_shared>>
          tpu.wait_indirect_dma semaphore(%run_scoped3A_23 : memref<!tpu.dma_semaphore, #tpu.memory_space<semaphore_mem>>) src(%arg10 : memref<128x128xf32, #tpu.memory_space<vmem>>) dst(%dma_wait3A_29 : memref<10240x128xf32, #tpu.memory_space<vmem_shared>>)
          tpu.yield
        }) : () -> ()
      }
      %scan3A_14 = arith.constant 157 : i32
      %barrier3A_15 = arith.constant 0 : index
      tpu.barrier barrier_id(%barrier3A_15)
      %run_scoped3A = arith.constant 1 : i32
      "tpu.region"() ({
        %run_scoped3A_16 = tpu.sem_alloc : memref<!tpu.dma_semaphore, #tpu.memory_space<semaphore_mem>>
        %dma_start3A = arith.constant 0 : i32
        %dma_start3A_17 = tpu.memref_slice %arg7[%run_scoped3A, %mul3A_0, %dma_start3A] : memref<2x10240x128xf32, #tpu.memory_space<hbm>> -> memref<1x640x128xf32, #tpu.memory_space<hbm>>
        %dma_start3A_18 = tpu.memref_squeeze %dma_start3A_17 : memref<1x640x128xf32, #tpu.memory_space<hbm>> -> memref<640x128xf32, #tpu.memory_space<hbm>>
        %dma_start3A_19 = arith.constant 0 : i32
        %dma_start3A_20 = tpu.memref_slice %arg11[%mul3A_0, %dma_start3A_19] : memref<10240x128xf32, #tpu.memory_space<vmem_shared>> -> memref<640x128xf32, #tpu.memory_space<vmem_shared>>
        tpu.enqueue_dma source(%dma_start3A_20 : memref<640x128xf32, #tpu.memory_space<vmem_shared>>) target(%dma_start3A_18 : memref<640x128xf32, #tpu.memory_space<hbm>>) target_semaphore(%run_scoped3A_16 : memref<!tpu.dma_semaphore, #tpu.memory_space<semaphore_mem>>)
        %dma_wait3A = arith.constant 0 : i32
        %dma_wait3A_21 = tpu.memref_slice %arg7[%run_scoped3A, %mul3A_0, %dma_wait3A] : memref<2x10240x128xf32, #tpu.memory_space<hbm>> -> memref<1x640x128xf32, #tpu.memory_space<hbm>>
        %dma_wait3A_22 = tpu.memref_squeeze %dma_wait3A_21 : memref<1x640x128xf32, #tpu.memory_space<hbm>> -> memref<640x128xf32, #tpu.memory_space<hbm>>
        %dma_wait3A_23 = arith.constant 0 : i32
        %dma_wait3A_24 = tpu.memref_slice %arg11[%mul3A_0, %dma_wait3A_23] : memref<10240x128xf32, #tpu.memory_space<vmem_shared>> -> memref<640x128xf32, #tpu.memory_space<vmem_shared>>
        tpu.wait_dma2 semaphore(%run_scoped3A_16 : memref<!tpu.dma_semaphore, #tpu.memory_space<semaphore_mem>>) src(%dma_wait3A_24 : memref<640x128xf32, #tpu.memory_space<vmem_shared>>) dst(%dma_wait3A_22 : memref<640x128xf32, #tpu.memory_space<hbm>>)
        tpu.yield
      }) : () -> ()
    } else {
    }
    return
  }
}

#map = affine_map<(d0, d1) -> (0)>
#map1 = affine_map<(d0, d1) -> (0, 0)>
#map2 = affine_map<(d0, d1) -> (0, 0, 0)>
module attributes {stable_mosaic.version = 14 : i64} {
  func.func @agg(%arg0: i32, %arg1: i32, %arg2: memref<323584xi32, #tpu.memory_space<hbm>>, %arg3: memref<10240x128xf32, #tpu.memory_space<hbm>>, %arg4: memref<128x128xf32, #tpu.memory_space<hbm>>, %arg5: memref<2x10240x128xf32, #tpu.memory_space<hbm>>, %arg6: memref<128xi32, #tpu.memory_space<vmem>>, %arg7: memref<128xi32, #tpu.memory_space<vmem>>, %arg8: memref<128x128xf32, #tpu.memory_space<vmem>>, %arg9: memref<10240x128xf32, #tpu.memory_space<vmem_shared>>, %arg10: memref<!tpu.dma_semaphore, #tpu.memory_space<semaphore_mem>>) attributes {dimension_semantics = [#tpu.dimension_semantics<core_parallel>, #tpu.dimension_semantics<subcore_parallel>], iteration_bounds = array<i64: 2, 16>, scalar_prefetch = 0 : i64, scratch_operands = 5 : i64, tpu.core_type = #tpu.core_type<sc_vector_subcore>, window_params = [{transform_indices = #map}, {transform_indices = #map1}, {transform_indices = #map1}, {transform_indices = #map2}]} {
    %mul3A = arith.constant 640 : i32
    %mul3A_0 = arith.muli %arg1, %mul3A : i32
    %eq3A = arith.constant 0 : i32
    %eq3A_1 = arith.cmpi eq, %arg0, %eq3A : i32
    %convert_element_type3A = arith.extui %eq3A_1 : i1 to i32
    %cond3A = arith.constant 0 : i32
    %cond3A_2 = arith.cmpi ne, %convert_element_type3A, %cond3A : i32
    scf.if %cond3A_2 {
      "tpu.region"() ({
        %run_scoped3A_19 = tpu.sem_alloc : memref<!tpu.dma_semaphore, #tpu.memory_space<semaphore_mem>>
        %dma_start3A = arith.constant 0 : i32
        %dma_start3A_20 = tpu.memref_slice %arg9[%mul3A_0, %dma_start3A] : memref<10240x128xf32, #tpu.memory_space<vmem_shared>> -> memref<640x128xf32, #tpu.memory_space<vmem_shared>>
        %dma_start3A_21 = arith.constant 0 : i32
        %dma_start3A_22 = tpu.memref_slice %arg3[%mul3A_0, %dma_start3A_21] : memref<10240x128xf32, #tpu.memory_space<hbm>> -> memref<640x128xf32, #tpu.memory_space<hbm>>
        tpu.enqueue_dma source(%dma_start3A_22 : memref<640x128xf32, #tpu.memory_space<hbm>>) target(%dma_start3A_20 : memref<640x128xf32, #tpu.memory_space<vmem_shared>>) target_semaphore(%run_scoped3A_19 : memref<!tpu.dma_semaphore, #tpu.memory_space<semaphore_mem>>)
        %dma_wait3A = arith.constant 0 : i32
        %dma_wait3A_23 = tpu.memref_slice %arg9[%mul3A_0, %dma_wait3A] : memref<10240x128xf32, #tpu.memory_space<vmem_shared>> -> memref<640x128xf32, #tpu.memory_space<vmem_shared>>
        %dma_wait3A_24 = arith.constant 0 : i32
        %dma_wait3A_25 = tpu.memref_slice %arg3[%mul3A_0, %dma_wait3A_24] : memref<10240x128xf32, #tpu.memory_space<hbm>> -> memref<640x128xf32, #tpu.memory_space<hbm>>
        tpu.wait_dma2 semaphore(%run_scoped3A_19 : memref<!tpu.dma_semaphore, #tpu.memory_space<semaphore_mem>>) src(%dma_wait3A_25 : memref<640x128xf32, #tpu.memory_space<hbm>>) dst(%dma_wait3A_23 : memref<640x128xf32, #tpu.memory_space<vmem_shared>>)
        tpu.yield
      }) : () -> ()
      "tpu.region"() ({
        %run_scoped3A_19 = tpu.sem_alloc : memref<!tpu.dma_semaphore, #tpu.memory_space<semaphore_mem>>
        tpu.enqueue_dma source(%arg4 : memref<128x128xf32, #tpu.memory_space<hbm>>) target(%arg8 : memref<128x128xf32, #tpu.memory_space<vmem>>) target_semaphore(%run_scoped3A_19 : memref<!tpu.dma_semaphore, #tpu.memory_space<semaphore_mem>>)
        tpu.wait_dma2 semaphore(%run_scoped3A_19 : memref<!tpu.dma_semaphore, #tpu.memory_space<semaphore_mem>>) src(%arg4 : memref<128x128xf32, #tpu.memory_space<hbm>>) dst(%arg8 : memref<128x128xf32, #tpu.memory_space<vmem>>)
        tpu.yield
      }) : () -> ()
      %barrier3A = arith.constant 0 : index
      tpu.barrier barrier_id(%barrier3A)
      %mul3A_8 = arith.constant 2 : i32
      %mul3A_9 = arith.muli %arg1, %mul3A_8 : i32
      %add3A = arith.constant 0 : i32
      %add3A_10 = arith.addi %mul3A_9, %add3A : i32
      %mul3A_11 = arith.constant 10112 : i32
      %mul3A_12 = arith.muli %add3A_10, %mul3A_11 : i32
      %scan3A = arith.constant 0 : i32
      %scan3A_13 = arith.constant 0 : i32
      %scan3A_14 = arith.constant 79 : i32
      %scan3A_15 = arith.addi %scan3A_13, %scan3A_14 : i32
      %scan3A_16 = arith.constant 1 : i32
      scf.for %scan3A_19 = %scan3A_13 to %scan3A_15 step %scan3A_16  : i32 {
        %mul3A_20 = arith.constant 128 : i32
        %mul3A_21 = arith.muli %scan3A_19, %mul3A_20 : i32
        %add3A_22 = arith.addi %mul3A_12, %mul3A_21 : i32
        "tpu.region"() ({
          %run_scoped3A_23 = tpu.sem_alloc : memref<!tpu.dma_semaphore, #tpu.memory_space<semaphore_mem>>
          %dma_start3A = tpu.memref_slice %arg2[%add3A_22] : memref<323584xi32, #tpu.memory_space<hbm>> -> memref<128xi32, #tpu.memory_space<hbm>>
          %dma_start3A_24 = tpu.memref_slice %arg2[%add3A_22] : memref<323584xi32, #tpu.memory_space<hbm>> -> memref<128xi32, #tpu.memory_space<hbm>>
          tpu.enqueue_dma source(%dma_start3A_24 : memref<128xi32, #tpu.memory_space<hbm>>) target(%arg7 : memref<128xi32, #tpu.memory_space<vmem>>) target_semaphore(%run_scoped3A_23 : memref<!tpu.dma_semaphore, #tpu.memory_space<semaphore_mem>>)
          %dma_wait3A = tpu.memref_slice %arg2[%add3A_22] : memref<323584xi32, #tpu.memory_space<hbm>> -> memref<128xi32, #tpu.memory_space<hbm>>
          %dma_wait3A_25 = tpu.memref_slice %arg2[%add3A_22] : memref<323584xi32, #tpu.memory_space<hbm>> -> memref<128xi32, #tpu.memory_space<hbm>>
          tpu.wait_dma2 semaphore(%run_scoped3A_23 : memref<!tpu.dma_semaphore, #tpu.memory_space<semaphore_mem>>) src(%dma_wait3A_25 : memref<128xi32, #tpu.memory_space<hbm>>) dst(%arg7 : memref<128xi32, #tpu.memory_space<vmem>>)
          tpu.yield
        }) : () -> ()
        "tpu.region"() ({
          %run_scoped3A_23 = tpu.sem_alloc : memref<!tpu.dma_semaphore, #tpu.memory_space<semaphore_mem>>
          %dma_start3A = arith.constant 0 : i32
          %dma_start3A_24 = arith.constant 0 : i32
          %dma_start3A_25 = tpu.memref_slice %arg9[%dma_start3A, %dma_start3A_24] : memref<10240x128xf32, #tpu.memory_space<vmem_shared>> -> memref<10240x128xf32, #tpu.memory_space<vmem_shared>>
          tpu.enqueue_indirect_dma source(%arg8 : memref<128x128xf32, #tpu.memory_space<vmem>>) target(%dma_start3A_25 : memref<10240x128xf32, #tpu.memory_space<vmem_shared>>) offsets(%arg7 : memref<128xi32, #tpu.memory_space<vmem>>) semaphore(%run_scoped3A_23 : memref<!tpu.dma_semaphore, #tpu.memory_space<semaphore_mem>>) {add = true}
          %dma_wait3A = arith.constant 0 : i32
          %dma_wait3A_26 = arith.constant 0 : i32
          %dma_wait3A_27 = tpu.memref_slice %arg9[%dma_wait3A, %dma_wait3A_26] : memref<10240x128xf32, #tpu.memory_space<vmem_shared>> -> memref<10240x128xf32, #tpu.memory_space<vmem_shared>>
          tpu.wait_indirect_dma semaphore(%run_scoped3A_23 : memref<!tpu.dma_semaphore, #tpu.memory_space<semaphore_mem>>) src(%arg8 : memref<128x128xf32, #tpu.memory_space<vmem>>) dst(%dma_wait3A_27 : memref<10240x128xf32, #tpu.memory_space<vmem_shared>>)
          tpu.yield
        }) : () -> ()
      }
      %scan3A_17 = arith.constant 79 : i32
      %barrier3A_18 = arith.constant 0 : index
      tpu.barrier barrier_id(%barrier3A_18)
      %run_scoped3A = arith.constant 0 : i32
      "tpu.region"() ({
        %run_scoped3A_19 = tpu.sem_alloc : memref<!tpu.dma_semaphore, #tpu.memory_space<semaphore_mem>>
        %dma_start3A = arith.constant 0 : i32
        %dma_start3A_20 = tpu.memref_slice %arg5[%run_scoped3A, %mul3A_0, %dma_start3A] : memref<2x10240x128xf32, #tpu.memory_space<hbm>> -> memref<1x640x128xf32, #tpu.memory_space<hbm>>
        %dma_start3A_21 = tpu.memref_squeeze %dma_start3A_20 : memref<1x640x128xf32, #tpu.memory_space<hbm>> -> memref<640x128xf32, #tpu.memory_space<hbm>>
        %dma_start3A_22 = arith.constant 0 : i32
        %dma_start3A_23 = tpu.memref_slice %arg9[%mul3A_0, %dma_start3A_22] : memref<10240x128xf32, #tpu.memory_space<vmem_shared>> -> memref<640x128xf32, #tpu.memory_space<vmem_shared>>
        tpu.enqueue_dma source(%dma_start3A_23 : memref<640x128xf32, #tpu.memory_space<vmem_shared>>) target(%dma_start3A_21 : memref<640x128xf32, #tpu.memory_space<hbm>>) target_semaphore(%run_scoped3A_19 : memref<!tpu.dma_semaphore, #tpu.memory_space<semaphore_mem>>)
        %dma_wait3A = arith.constant 0 : i32
        %dma_wait3A_24 = tpu.memref_slice %arg5[%run_scoped3A, %mul3A_0, %dma_wait3A] : memref<2x10240x128xf32, #tpu.memory_space<hbm>> -> memref<1x640x128xf32, #tpu.memory_space<hbm>>
        %dma_wait3A_25 = tpu.memref_squeeze %dma_wait3A_24 : memref<1x640x128xf32, #tpu.memory_space<hbm>> -> memref<640x128xf32, #tpu.memory_space<hbm>>
        %dma_wait3A_26 = arith.constant 0 : i32
        %dma_wait3A_27 = tpu.memref_slice %arg9[%mul3A_0, %dma_wait3A_26] : memref<10240x128xf32, #tpu.memory_space<vmem_shared>> -> memref<640x128xf32, #tpu.memory_space<vmem_shared>>
        tpu.wait_dma2 semaphore(%run_scoped3A_19 : memref<!tpu.dma_semaphore, #tpu.memory_space<semaphore_mem>>) src(%dma_wait3A_27 : memref<640x128xf32, #tpu.memory_space<vmem_shared>>) dst(%dma_wait3A_25 : memref<640x128xf32, #tpu.memory_space<hbm>>)
        tpu.yield
      }) : () -> ()
    } else {
    }
    %eq3A_3 = arith.constant 1 : i32
    %eq3A_4 = arith.cmpi eq, %arg0, %eq3A_3 : i32
    %convert_element_type3A_5 = arith.extui %eq3A_4 : i1 to i32
    %cond3A_6 = arith.constant 0 : i32
    %cond3A_7 = arith.cmpi ne, %convert_element_type3A_5, %cond3A_6 : i32
    scf.if %cond3A_7 {
      "tpu.region"() ({
        %run_scoped3A_19 = tpu.sem_alloc : memref<!tpu.dma_semaphore, #tpu.memory_space<semaphore_mem>>
        %dma_start3A = arith.constant 0 : i32
        %dma_start3A_20 = tpu.memref_slice %arg9[%mul3A_0, %dma_start3A] : memref<10240x128xf32, #tpu.memory_space<vmem_shared>> -> memref<640x128xf32, #tpu.memory_space<vmem_shared>>
        %dma_start3A_21 = arith.constant 0 : i32
        %dma_start3A_22 = tpu.memref_slice %arg3[%mul3A_0, %dma_start3A_21] : memref<10240x128xf32, #tpu.memory_space<hbm>> -> memref<640x128xf32, #tpu.memory_space<hbm>>
        tpu.enqueue_dma source(%dma_start3A_22 : memref<640x128xf32, #tpu.memory_space<hbm>>) target(%dma_start3A_20 : memref<640x128xf32, #tpu.memory_space<vmem_shared>>) target_semaphore(%run_scoped3A_19 : memref<!tpu.dma_semaphore, #tpu.memory_space<semaphore_mem>>)
        %dma_wait3A = arith.constant 0 : i32
        %dma_wait3A_23 = tpu.memref_slice %arg9[%mul3A_0, %dma_wait3A] : memref<10240x128xf32, #tpu.memory_space<vmem_shared>> -> memref<640x128xf32, #tpu.memory_space<vmem_shared>>
        %dma_wait3A_24 = arith.constant 0 : i32
        %dma_wait3A_25 = tpu.memref_slice %arg3[%mul3A_0, %dma_wait3A_24] : memref<10240x128xf32, #tpu.memory_space<hbm>> -> memref<640x128xf32, #tpu.memory_space<hbm>>
        tpu.wait_dma2 semaphore(%run_scoped3A_19 : memref<!tpu.dma_semaphore, #tpu.memory_space<semaphore_mem>>) src(%dma_wait3A_25 : memref<640x128xf32, #tpu.memory_space<hbm>>) dst(%dma_wait3A_23 : memref<640x128xf32, #tpu.memory_space<vmem_shared>>)
        tpu.yield
      }) : () -> ()
      "tpu.region"() ({
        %run_scoped3A_19 = tpu.sem_alloc : memref<!tpu.dma_semaphore, #tpu.memory_space<semaphore_mem>>
        tpu.enqueue_dma source(%arg4 : memref<128x128xf32, #tpu.memory_space<hbm>>) target(%arg8 : memref<128x128xf32, #tpu.memory_space<vmem>>) target_semaphore(%run_scoped3A_19 : memref<!tpu.dma_semaphore, #tpu.memory_space<semaphore_mem>>)
        tpu.wait_dma2 semaphore(%run_scoped3A_19 : memref<!tpu.dma_semaphore, #tpu.memory_space<semaphore_mem>>) src(%arg4 : memref<128x128xf32, #tpu.memory_space<hbm>>) dst(%arg8 : memref<128x128xf32, #tpu.memory_space<vmem>>)
        tpu.yield
      }) : () -> ()
      %barrier3A = arith.constant 0 : index
      tpu.barrier barrier_id(%barrier3A)
      %mul3A_8 = arith.constant 2 : i32
      %mul3A_9 = arith.muli %arg1, %mul3A_8 : i32
      %add3A = arith.constant 1 : i32
      %add3A_10 = arith.addi %mul3A_9, %add3A : i32
      %mul3A_11 = arith.constant 10112 : i32
      %mul3A_12 = arith.muli %add3A_10, %mul3A_11 : i32
      %scan3A = arith.constant 0 : i32
      %scan3A_13 = arith.constant 0 : i32
      %scan3A_14 = arith.constant 79 : i32
      %scan3A_15 = arith.addi %scan3A_13, %scan3A_14 : i32
      %scan3A_16 = arith.constant 1 : i32
      scf.for %scan3A_19 = %scan3A_13 to %scan3A_15 step %scan3A_16  : i32 {
        %mul3A_20 = arith.constant 128 : i32
        %mul3A_21 = arith.muli %scan3A_19, %mul3A_20 : i32
        %add3A_22 = arith.addi %mul3A_12, %mul3A_21 : i32
        "tpu.region"() ({
          %run_scoped3A_23 = tpu.sem_alloc : memref<!tpu.dma_semaphore, #tpu.memory_space<semaphore_mem>>
          %dma_start3A = tpu.memref_slice %arg2[%add3A_22] : memref<323584xi32, #tpu.memory_space<hbm>> -> memref<128xi32, #tpu.memory_space<hbm>>
          %dma_start3A_24 = tpu.memref_slice %arg2[%add3A_22] : memref<323584xi32, #tpu.memory_space<hbm>> -> memref<128xi32, #tpu.memory_space<hbm>>
          tpu.enqueue_dma source(%dma_start3A_24 : memref<128xi32, #tpu.memory_space<hbm>>) target(%arg7 : memref<128xi32, #tpu.memory_space<vmem>>) target_semaphore(%run_scoped3A_23 : memref<!tpu.dma_semaphore, #tpu.memory_space<semaphore_mem>>)
          %dma_wait3A = tpu.memref_slice %arg2[%add3A_22] : memref<323584xi32, #tpu.memory_space<hbm>> -> memref<128xi32, #tpu.memory_space<hbm>>
          %dma_wait3A_25 = tpu.memref_slice %arg2[%add3A_22] : memref<323584xi32, #tpu.memory_space<hbm>> -> memref<128xi32, #tpu.memory_space<hbm>>
          tpu.wait_dma2 semaphore(%run_scoped3A_23 : memref<!tpu.dma_semaphore, #tpu.memory_space<semaphore_mem>>) src(%dma_wait3A_25 : memref<128xi32, #tpu.memory_space<hbm>>) dst(%arg7 : memref<128xi32, #tpu.memory_space<vmem>>)
          tpu.yield
        }) : () -> ()
        "tpu.region"() ({
          %run_scoped3A_23 = tpu.sem_alloc : memref<!tpu.dma_semaphore, #tpu.memory_space<semaphore_mem>>
          %dma_start3A = arith.constant 0 : i32
          %dma_start3A_24 = arith.constant 0 : i32
          %dma_start3A_25 = tpu.memref_slice %arg9[%dma_start3A, %dma_start3A_24] : memref<10240x128xf32, #tpu.memory_space<vmem_shared>> -> memref<10240x128xf32, #tpu.memory_space<vmem_shared>>
          tpu.enqueue_indirect_dma source(%arg8 : memref<128x128xf32, #tpu.memory_space<vmem>>) target(%dma_start3A_25 : memref<10240x128xf32, #tpu.memory_space<vmem_shared>>) offsets(%arg7 : memref<128xi32, #tpu.memory_space<vmem>>) semaphore(%run_scoped3A_23 : memref<!tpu.dma_semaphore, #tpu.memory_space<semaphore_mem>>) {add = true}
          %dma_wait3A = arith.constant 0 : i32
          %dma_wait3A_26 = arith.constant 0 : i32
          %dma_wait3A_27 = tpu.memref_slice %arg9[%dma_wait3A, %dma_wait3A_26] : memref<10240x128xf32, #tpu.memory_space<vmem_shared>> -> memref<10240x128xf32, #tpu.memory_space<vmem_shared>>
          tpu.wait_indirect_dma semaphore(%run_scoped3A_23 : memref<!tpu.dma_semaphore, #tpu.memory_space<semaphore_mem>>) src(%arg8 : memref<128x128xf32, #tpu.memory_space<vmem>>) dst(%dma_wait3A_27 : memref<10240x128xf32, #tpu.memory_space<vmem_shared>>)
          tpu.yield
        }) : () -> ()
      }
      %scan3A_17 = arith.constant 79 : i32
      %barrier3A_18 = arith.constant 0 : index
      tpu.barrier barrier_id(%barrier3A_18)
      %run_scoped3A = arith.constant 1 : i32
      "tpu.region"() ({
        %run_scoped3A_19 = tpu.sem_alloc : memref<!tpu.dma_semaphore, #tpu.memory_space<semaphore_mem>>
        %dma_start3A = arith.constant 0 : i32
        %dma_start3A_20 = tpu.memref_slice %arg5[%run_scoped3A, %mul3A_0, %dma_start3A] : memref<2x10240x128xf32, #tpu.memory_space<hbm>> -> memref<1x640x128xf32, #tpu.memory_space<hbm>>
        %dma_start3A_21 = tpu.memref_squeeze %dma_start3A_20 : memref<1x640x128xf32, #tpu.memory_space<hbm>> -> memref<640x128xf32, #tpu.memory_space<hbm>>
        %dma_start3A_22 = arith.constant 0 : i32
        %dma_start3A_23 = tpu.memref_slice %arg9[%mul3A_0, %dma_start3A_22] : memref<10240x128xf32, #tpu.memory_space<vmem_shared>> -> memref<640x128xf32, #tpu.memory_space<vmem_shared>>
        tpu.enqueue_dma source(%dma_start3A_23 : memref<640x128xf32, #tpu.memory_space<vmem_shared>>) target(%dma_start3A_21 : memref<640x128xf32, #tpu.memory_space<hbm>>) target_semaphore(%run_scoped3A_19 : memref<!tpu.dma_semaphore, #tpu.memory_space<semaphore_mem>>)
        %dma_wait3A = arith.constant 0 : i32
        %dma_wait3A_24 = tpu.memref_slice %arg5[%run_scoped3A, %mul3A_0, %dma_wait3A] : memref<2x10240x128xf32, #tpu.memory_space<hbm>> -> memref<1x640x128xf32, #tpu.memory_space<hbm>>
        %dma_wait3A_25 = tpu.memref_squeeze %dma_wait3A_24 : memref<1x640x128xf32, #tpu.memory_space<hbm>> -> memref<640x128xf32, #tpu.memory_space<hbm>>
        %dma_wait3A_26 = arith.constant 0 : i32
        %dma_wait3A_27 = tpu.memref_slice %arg9[%mul3A_0, %dma_wait3A_26] : memref<10240x128xf32, #tpu.memory_space<vmem_shared>> -> memref<640x128xf32, #tpu.memory_space<vmem_shared>>
        tpu.wait_dma2 semaphore(%run_scoped3A_19 : memref<!tpu.dma_semaphore, #tpu.memory_space<semaphore_mem>>) src(%dma_wait3A_27 : memref<640x128xf32, #tpu.memory_space<vmem_shared>>) dst(%dma_wait3A_25 : memref<640x128xf32, #tpu.memory_space<hbm>>)
        tpu.yield
      }) : () -> ()
    } else {
    }
    return
  }
}

module attributes {stable_mosaic.version = 14 : i64} {
  func.func @_tc_a(%arg0: i32, %arg1: memref<512x128xf32, #tpu.memory_space<vmem>>, %arg2: memref<2x512x128xf32, #tpu.memory_space<vmem>>, %arg3: memref<2x512x128xf32, #tpu.memory_space<vmem>>, %arg4: memref<128x256xf32, #tpu.memory_space<vmem>>, %arg5: memref<128x256xf32, #tpu.memory_space<vmem>>, %arg6: memref<1x256xf32, #tpu.memory_space<vmem>>, %arg7: memref<2x512x128xf32, #tpu.memory_space<vmem>>) attributes {dimension_semantics = [#tpu.dimension_semantics<arbitrary>], iteration_bounds = array<i64: 20>, scalar_prefetch = 0 : i64, scratch_operands = 0 : i64, tpu.core_type = #tpu.core_type<tc>, window_params = [{transform_indices = @transform_0, window_bounds = array<i64: 512, 128>}, {transform_indices = @transform_1, window_bounds = array<i64: 2, 512, 128>}, {transform_indices = @transform_2, window_bounds = array<i64: 2, 512, 128>}, {pipeline_mode = #tpu.pipeline_mode<synchronous>, transform_indices = @transform_3, window_bounds = array<i64: 128, 256>}, {pipeline_mode = #tpu.pipeline_mode<synchronous>, transform_indices = @transform_4, window_bounds = array<i64: 128, 256>}, {pipeline_mode = #tpu.pipeline_mode<synchronous>, transform_indices = @transform_5, window_bounds = array<i64: 1, 256>}, {transform_indices = @transform_6, window_bounds = array<i64: 2, 512, 128>}]} {
    %get3A = arith.constant 0 : index
    %get3A_0 = arith.constant 0 : index
    %get3A_1 = arith.constant 0 : index
    %get3A_2 = vector.load %arg2[%get3A, %get3A_0, %get3A_1] : memref<2x512x128xf32, #tpu.memory_space<vmem>>, vector<1x512x128xf32>
    %get3A_3 = vector.shape_cast %get3A_2 : vector<1x512x128xf32> to vector<512x128xf32>
    %get3A_4 = arith.constant 1 : index
    %get3A_5 = arith.constant 0 : index
    %get3A_6 = arith.constant 0 : index
    %get3A_7 = vector.load %arg2[%get3A_4, %get3A_5, %get3A_6] : memref<2x512x128xf32, #tpu.memory_space<vmem>>, vector<1x512x128xf32>
    %get3A_8 = vector.shape_cast %get3A_7 : vector<1x512x128xf32> to vector<512x128xf32>
    %add3A = arith.addf %get3A_3, %get3A_8 : vector<512x128xf32>
    %get3A_9 = arith.constant 0 : index
    %get3A_10 = arith.constant 0 : index
    %get3A_11 = arith.constant 0 : index
    %get3A_12 = vector.load %arg3[%get3A_9, %get3A_10, %get3A_11] : memref<2x512x128xf32, #tpu.memory_space<vmem>>, vector<1x512x128xf32>
    %get3A_13 = vector.shape_cast %get3A_12 : vector<1x512x128xf32> to vector<512x128xf32>
    %slice3A = vector.extract_strided_slice %get3A_13 {offsets = [0, 0], sizes = [512, 1], strides = [1, 1]} : vector<512x128xf32> to vector<512x1xf32>
    %get3A_14 = arith.constant 1 : index
    %get3A_15 = arith.constant 0 : index
    %get3A_16 = arith.constant 0 : index
    %get3A_17 = vector.load %arg3[%get3A_14, %get3A_15, %get3A_16] : memref<2x512x128xf32, #tpu.memory_space<vmem>>, vector<1x512x128xf32>
    %get3A_18 = vector.shape_cast %get3A_17 : vector<1x512x128xf32> to vector<512x128xf32>
    %slice3A_19 = vector.extract_strided_slice %get3A_18 {offsets = [0, 0], sizes = [512, 1], strides = [1, 1]} : vector<512x128xf32> to vector<512x1xf32>
    %add3A_20 = arith.addf %slice3A, %slice3A_19 : vector<512x1xf32>
    %max3A = arith.constant 1.000000e+00 : f32
    %max3A_21 = vector.broadcast %max3A : f32 to vector<512x1xf32>
    %max3A_22 = arith.maximumf %add3A_20, %max3A_21 : vector<512x1xf32>
    %div3A = arith.constant 1.000000e+00 : f32
    %div3A_23 = vector.broadcast %div3A : f32 to vector<512x1xf32>
    %div3A_24 = arith.divf %div3A_23, %max3A_22 : vector<512x1xf32>
    %mul3A = vector.broadcast %div3A_24 : vector<512x1xf32> to vector<512x128xf32>
    %mul3A_25 = arith.mulf %add3A, %mul3A : vector<512x128xf32>
    %get3A_26 = arith.constant 0 : index
    %get3A_27 = arith.constant 0 : index
    %get3A_28 = vector.load %arg1[%get3A_26, %get3A_27] : memref<512x128xf32, #tpu.memory_space<vmem>>, vector<512x128xf32>
    %get3A_29 = arith.constant 0 : index
    %get3A_30 = arith.constant 0 : index
    %get3A_31 = vector.load %arg4[%get3A_29, %get3A_30] : memref<128x256xf32, #tpu.memory_space<vmem>>, vector<128x256xf32>
    %dot_general3A = arith.constant dense<0.000000e+00> : vector<512x256xf32>
    %dot_general3A_32 = tpu.matmul %get3A_28, %get3A_31, %dot_general3A {dimension_numbers = #tpu.dot_dimension_numbers<[1], [0], [0], [1], [0, 0, 1, 1], [], []>, transpose_lhs_hint = false} : vector<512x128xf32>, vector<128x256xf32>, vector<512x256xf32> -> vector<512x256xf32>
    %get3A_33 = arith.constant 0 : index
    %get3A_34 = arith.constant 0 : index
    %get3A_35 = vector.load %arg5[%get3A_33, %get3A_34] : memref<128x256xf32, #tpu.memory_space<vmem>>, vector<128x256xf32>
    %dot_general3A_36 = arith.constant dense<0.000000e+00> : vector<512x256xf32>
    %dot_general3A_37 = tpu.matmul %mul3A_25, %get3A_35, %dot_general3A_36 {dimension_numbers = #tpu.dot_dimension_numbers<[1], [0], [0], [1], [0, 0, 1, 1], [], []>, transpose_lhs_hint = false} : vector<512x128xf32>, vector<128x256xf32>, vector<512x256xf32> -> vector<512x256xf32>
    %add3A_38 = arith.addf %dot_general3A_32, %dot_general3A_37 : vector<512x256xf32>
    %get3A_39 = arith.constant 0 : index
    %get3A_40 = arith.constant 0 : index
    %get3A_41 = vector.load %arg6[%get3A_39, %get3A_40] : memref<1x256xf32, #tpu.memory_space<vmem>>, vector<1x256xf32>
    %add3A_42 = vector.broadcast %get3A_41 : vector<1x256xf32> to vector<512x256xf32>
    %add3A_43 = arith.addf %add3A_38, %add3A_42 : vector<512x256xf32>
    %max3A_44 = arith.constant 0.000000e+00 : f32
    %max3A_45 = vector.broadcast %max3A_44 : f32 to vector<512x256xf32>
    %max3A_46 = arith.maximumf %add3A_43, %max3A_45 : vector<512x256xf32>
    %slice3A_47 = vector.extract_strided_slice %max3A_46 {offsets = [0, 0], sizes = [512, 128], strides = [1, 1]} : vector<512x256xf32> to vector<512x128xf32>
    %swap3A = arith.constant 0 : index
    %swap3A_48 = arith.constant 0 : index
    %swap3A_49 = arith.constant 0 : index
    %swap3A_50 = vector.load %arg7[%swap3A, %swap3A_48, %swap3A_49] : memref<2x512x128xf32, #tpu.memory_space<vmem>>, vector<1x512x128xf32>
    %swap3A_51 = vector.shape_cast %swap3A_50 : vector<1x512x128xf32> to vector<512x128xf32>
    %swap3A_52 = vector.shape_cast %slice3A_47 : vector<512x128xf32> to vector<1x512x128xf32>
    tpu.vector_store %arg7[%swap3A, %swap3A_48, %swap3A_49], %swap3A_52 {strides = array<i32>} : memref<2x512x128xf32, #tpu.memory_space<vmem>>, vector<1x512x128xf32>,
    %slice3A_53 = vector.extract_strided_slice %max3A_46 {offsets = [0, 128], sizes = [512, 128], strides = [1, 1]} : vector<512x256xf32> to vector<512x128xf32>
    %swap3A_54 = arith.constant 1 : index
    %swap3A_55 = arith.constant 0 : index
    %swap3A_56 = arith.constant 0 : index
    %swap3A_57 = vector.load %arg7[%swap3A_54, %swap3A_55, %swap3A_56] : memref<2x512x128xf32, #tpu.memory_space<vmem>>, vector<1x512x128xf32>
    %swap3A_58 = vector.shape_cast %swap3A_57 : vector<1x512x128xf32> to vector<512x128xf32>
    %swap3A_59 = vector.shape_cast %slice3A_53 : vector<512x128xf32> to vector<1x512x128xf32>
    tpu.vector_store %arg7[%swap3A_54, %swap3A_55, %swap3A_56], %swap3A_59 {strides = array<i32>} : memref<2x512x128xf32, #tpu.memory_space<vmem>>, vector<1x512x128xf32>,
    return
  }
  func.func @transform_0(%arg0: i32) -> (i32, i32) {
    %c0_i32 = arith.constant 0 : i32
    %c0_i32_0 = arith.constant 0 : i32
    return %arg0, %c0_i32 : i32, i32
  }
  func.func @transform_1(%arg0: i32) -> (i32, i32, i32) {
    %c0_i32 = arith.constant 0 : i32
    %c0_i32_0 = arith.constant 0 : i32
    %c0_i32_1 = arith.constant 0 : i32
    return %c0_i32, %arg0, %c0_i32_0 : i32, i32, i32
  }
  func.func @transform_2(%arg0: i32) -> (i32, i32, i32) {
    %c0_i32 = arith.constant 0 : i32
    %c0_i32_0 = arith.constant 0 : i32
    %c0_i32_1 = arith.constant 0 : i32
    return %c0_i32, %arg0, %c0_i32_0 : i32, i32, i32
  }
  func.func @transform_3(%arg0: i32) -> (i32, i32) {
    %c0_i32 = arith.constant 0 : i32
    %c0_i32_0 = arith.constant 0 : i32
    %c0_i32_1 = arith.constant 0 : i32
    return %c0_i32, %c0_i32_0 : i32, i32
  }
  func.func @transform_4(%arg0: i32) -> (i32, i32) {
    %c0_i32 = arith.constant 0 : i32
    %c0_i32_0 = arith.constant 0 : i32
    %c0_i32_1 = arith.constant 0 : i32
    return %c0_i32, %c0_i32_0 : i32, i32
  }
  func.func @transform_5(%arg0: i32) -> (i32, i32) {
    %c0_i32 = arith.constant 0 : i32
    %c0_i32_0 = arith.constant 0 : i32
    %c0_i32_1 = arith.constant 0 : i32
    return %c0_i32, %c0_i32_0 : i32, i32
  }
  func.func @transform_6(%arg0: i32) -> (i32, i32, i32) {
    %c0_i32 = arith.constant 0 : i32
    %c0_i32_0 = arith.constant 0 : i32
    %c0_i32_1 = arith.constant 0 : i32
    return %c0_i32, %arg0, %c0_i32_0 : i32, i32, i32
  }
}

module attributes {stable_mosaic.version = 14 : i64} {
  func.func @_tc_b(%arg0: i32, %arg1: memref<2x512x128xf32, #tpu.memory_space<vmem>>, %arg2: memref<2x512x128xf32, #tpu.memory_space<vmem>>, %arg3: memref<2x512x128xf32, #tpu.memory_space<vmem>>, %arg4: memref<256x256xf32, #tpu.memory_space<vmem>>, %arg5: memref<256x256xf32, #tpu.memory_space<vmem>>, %arg6: memref<1x256xf32, #tpu.memory_space<vmem>>, %arg7: memref<256x128xf32, #tpu.memory_space<vmem>>, %arg8: memref<512x256xf32, #tpu.memory_space<vmem>>, %arg9: memref<512x128xf32, #tpu.memory_space<vmem>>) attributes {dimension_semantics = [#tpu.dimension_semantics<arbitrary>], iteration_bounds = array<i64: 20>, scalar_prefetch = 0 : i64, scratch_operands = 0 : i64, tpu.core_type = #tpu.core_type<tc>, window_params = [{transform_indices = @transform_0, window_bounds = array<i64: 2, 512, 128>}, {transform_indices = @transform_1, window_bounds = array<i64: 2, 512, 128>}, {transform_indices = @transform_2, window_bounds = array<i64: 2, 512, 128>}, {pipeline_mode = #tpu.pipeline_mode<synchronous>, transform_indices = @transform_3, window_bounds = array<i64: 256, 256>}, {pipeline_mode = #tpu.pipeline_mode<synchronous>, transform_indices = @transform_4, window_bounds = array<i64: 256, 256>}, {pipeline_mode = #tpu.pipeline_mode<synchronous>, transform_indices = @transform_5, window_bounds = array<i64: 1, 256>}, {pipeline_mode = #tpu.pipeline_mode<synchronous>, transform_indices = @transform_6, window_bounds = array<i64: 256, 128>}, {transform_indices = @transform_7, window_bounds = array<i64: 512, 256>}, {transform_indices = @transform_8, window_bounds = array<i64: 512, 128>}]} {
    %get3A = arith.constant 0 : index
    %get3A_0 = arith.constant 0 : index
    %get3A_1 = arith.constant 0 : index
    %get3A_2 = vector.load %arg1[%get3A, %get3A_0, %get3A_1] : memref<2x512x128xf32, #tpu.memory_space<vmem>>, vector<1x512x128xf32>
    %get3A_3 = vector.shape_cast %get3A_2 : vector<1x512x128xf32> to vector<512x128xf32>
    %get3A_4 = arith.constant 1 : index
    %get3A_5 = arith.constant 0 : index
    %get3A_6 = arith.constant 0 : index
    %get3A_7 = vector.load %arg1[%get3A_4, %get3A_5, %get3A_6] : memref<2x512x128xf32, #tpu.memory_space<vmem>>, vector<1x512x128xf32>
    %get3A_8 = vector.shape_cast %get3A_7 : vector<1x512x128xf32> to vector<512x128xf32>
    %concatenate3A = tpu.concatenate %get3A_3, %get3A_8 in 1 : vector<512x128xf32>, vector<512x128xf32> -> vector<512x256xf32>
    %get3A_9 = arith.constant 0 : index
    %get3A_10 = arith.constant 0 : index
    %get3A_11 = arith.constant 0 : index
    %get3A_12 = vector.load %arg2[%get3A_9, %get3A_10, %get3A_11] : memref<2x512x128xf32, #tpu.memory_space<vmem>>, vector<1x512x128xf32>
    %get3A_13 = vector.shape_cast %get3A_12 : vector<1x512x128xf32> to vector<512x128xf32>
    %get3A_14 = arith.constant 1 : index
    %get3A_15 = arith.constant 0 : index
    %get3A_16 = arith.constant 0 : index
    %get3A_17 = vector.load %arg2[%get3A_14, %get3A_15, %get3A_16] : memref<2x512x128xf32, #tpu.memory_space<vmem>>, vector<1x512x128xf32>
    %get3A_18 = vector.shape_cast %get3A_17 : vector<1x512x128xf32> to vector<512x128xf32>
    %concatenate3A_19 = tpu.concatenate %get3A_13, %get3A_18 in 1 : vector<512x128xf32>, vector<512x128xf32> -> vector<512x256xf32>
    %get3A_20 = arith.constant 0 : index
    %get3A_21 = arith.constant 0 : index
    %get3A_22 = arith.constant 0 : index
    %get3A_23 = vector.load %arg3[%get3A_20, %get3A_21, %get3A_22] : memref<2x512x128xf32, #tpu.memory_space<vmem>>, vector<1x512x128xf32>
    %get3A_24 = vector.shape_cast %get3A_23 : vector<1x512x128xf32> to vector<512x128xf32>
    %slice3A = vector.extract_strided_slice %get3A_24 {offsets = [0, 0], sizes = [512, 1], strides = [1, 1]} : vector<512x128xf32> to vector<512x1xf32>
    %get3A_25 = arith.constant 1 : index
    %get3A_26 = arith.constant 0 : index
    %get3A_27 = arith.constant 0 : index
    %get3A_28 = vector.load %arg3[%get3A_25, %get3A_26, %get3A_27] : memref<2x512x128xf32, #tpu.memory_space<vmem>>, vector<1x512x128xf32>
    %get3A_29 = vector.shape_cast %get3A_28 : vector<1x512x128xf32> to vector<512x128xf32>
    %slice3A_30 = vector.extract_strided_slice %get3A_29 {offsets = [0, 0], sizes = [512, 1], strides = [1, 1]} : vector<512x128xf32> to vector<512x1xf32>
    %add3A = arith.addf %slice3A, %slice3A_30 : vector<512x1xf32>
    %max3A = arith.constant 1.000000e+00 : f32
    %max3A_31 = vector.broadcast %max3A : f32 to vector<512x1xf32>
    %max3A_32 = arith.maximumf %add3A, %max3A_31 : vector<512x1xf32>
    %div3A = arith.constant 1.000000e+00 : f32
    %div3A_33 = vector.broadcast %div3A : f32 to vector<512x1xf32>
    %div3A_34 = arith.divf %div3A_33, %max3A_32 : vector<512x1xf32>
    %mul3A = vector.broadcast %div3A_34 : vector<512x1xf32> to vector<512x256xf32>
    %mul3A_35 = arith.mulf %concatenate3A_19, %mul3A : vector<512x256xf32>
    %get3A_36 = arith.constant 0 : index
    %get3A_37 = arith.constant 0 : index
    %get3A_38 = vector.load %arg4[%get3A_36, %get3A_37] : memref<256x256xf32, #tpu.memory_space<vmem>>, vector<256x256xf32>
    %dot_general3A = arith.constant dense<0.000000e+00> : vector<512x256xf32>
    %dot_general3A_39 = tpu.matmul %concatenate3A, %get3A_38, %dot_general3A {dimension_numbers = #tpu.dot_dimension_numbers<[1], [0], [0], [1], [0, 0, 1, 1], [], []>, transpose_lhs_hint = false} : vector<512x256xf32>, vector<256x256xf32>, vector<512x256xf32> -> vector<512x256xf32>
    %get3A_40 = arith.constant 0 : index
    %get3A_41 = arith.constant 0 : index
    %get3A_42 = vector.load %arg5[%get3A_40, %get3A_41] : memref<256x256xf32, #tpu.memory_space<vmem>>, vector<256x256xf32>
    %dot_general3A_43 = arith.constant dense<0.000000e+00> : vector<512x256xf32>
    %dot_general3A_44 = tpu.matmul %mul3A_35, %get3A_42, %dot_general3A_43 {dimension_numbers = #tpu.dot_dimension_numbers<[1], [0], [0], [1], [0, 0, 1, 1], [], []>, transpose_lhs_hint = false} : vector<512x256xf32>, vector<256x256xf32>, vector<512x256xf32> -> vector<512x256xf32>
    %add3A_45 = arith.addf %dot_general3A_39, %dot_general3A_44 : vector<512x256xf32>
    %get3A_46 = arith.constant 0 : index
    %get3A_47 = arith.constant 0 : index
    %get3A_48 = vector.load %arg6[%get3A_46, %get3A_47] : memref<1x256xf32, #tpu.memory_space<vmem>>, vector<1x256xf32>
    %add3A_49 = vector.broadcast %get3A_48 : vector<1x256xf32> to vector<512x256xf32>
    %add3A_50 = arith.addf %add3A_45, %add3A_49 : vector<512x256xf32>
    %max3A_51 = arith.constant 0.000000e+00 : f32
    %max3A_52 = vector.broadcast %max3A_51 : f32 to vector<512x256xf32>
    %max3A_53 = arith.maximumf %add3A_50, %max3A_52 : vector<512x256xf32>
    %swap3A = arith.constant 0 : index
    %swap3A_54 = arith.constant 0 : index
    %swap3A_55 = vector.load %arg8[%swap3A, %swap3A_54] : memref<512x256xf32, #tpu.memory_space<vmem>>, vector<512x256xf32>
    tpu.vector_store %arg8[%swap3A, %swap3A_54], %max3A_53 {strides = array<i32>} : memref<512x256xf32, #tpu.memory_space<vmem>>, vector<512x256xf32>,
    %get3A_56 = arith.constant 0 : index
    %get3A_57 = arith.constant 0 : index
    %get3A_58 = vector.load %arg7[%get3A_56, %get3A_57] : memref<256x128xf32, #tpu.memory_space<vmem>>, vector<256x128xf32>
    %dot_general3A_59 = arith.constant dense<0.000000e+00> : vector<512x128xf32>
    %dot_general3A_60 = tpu.matmul %max3A_53, %get3A_58, %dot_general3A_59 {dimension_numbers = #tpu.dot_dimension_numbers<[1], [0], [0], [1], [0, 0, 1, 1], [], []>, transpose_lhs_hint = false} : vector<512x256xf32>, vector<256x128xf32>, vector<512x128xf32> -> vector<512x128xf32>
    %swap3A_61 = arith.constant 0 : index
    %swap3A_62 = arith.constant 0 : index
    %swap3A_63 = vector.load %arg9[%swap3A_61, %swap3A_62] : memref<512x128xf32, #tpu.memory_space<vmem>>, vector<512x128xf32>
    tpu.vector_store %arg9[%swap3A_61, %swap3A_62], %dot_general3A_60 {strides = array<i32>} : memref<512x128xf32, #tpu.memory_space<vmem>>, vector<512x128xf32>,
    return
  }
  func.func @transform_0(%arg0: i32) -> (i32, i32, i32) {
    %c0_i32 = arith.constant 0 : i32
    %c0_i32_0 = arith.constant 0 : i32
    %c0_i32_1 = arith.constant 0 : i32
    return %c0_i32, %arg0, %c0_i32_0 : i32, i32, i32
  }
  func.func @transform_1(%arg0: i32) -> (i32, i32, i32) {
    %c0_i32 = arith.constant 0 : i32
    %c0_i32_0 = arith.constant 0 : i32
    %c0_i32_1 = arith.constant 0 : i32
    return %c0_i32, %arg0, %c0_i32_0 : i32, i32, i32
  }
  func.func @transform_2(%arg0: i32) -> (i32, i32, i32) {
    %c0_i32 = arith.constant 0 : i32
    %c0_i32_0 = arith.constant 0 : i32
    %c0_i32_1 = arith.constant 0 : i32
    return %c0_i32, %arg0, %c0_i32_0 : i32, i32, i32
  }
  func.func @transform_3(%arg0: i32) -> (i32, i32) {
    %c0_i32 = arith.constant 0 : i32
    %c0_i32_0 = arith.constant 0 : i32
    %c0_i32_1 = arith.constant 0 : i32
    return %c0_i32, %c0_i32_0 : i32, i32
  }
  func.func @transform_4(%arg0: i32) -> (i32, i32) {
    %c0_i32 = arith.constant 0 : i32
    %c0_i32_0 = arith.constant 0 : i32
    %c0_i32_1 = arith.constant 0 : i32
    return %c0_i32, %c0_i32_0 : i32, i32
  }
  func.func @transform_5(%arg0: i32) -> (i32, i32) {
    %c0_i32 = arith.constant 0 : i32
    %c0_i32_0 = arith.constant 0 : i32
    %c0_i32_1 = arith.constant 0 : i32
    return %c0_i32, %c0_i32_0 : i32, i32
  }
  func.func @transform_6(%arg0: i32) -> (i32, i32) {
    %c0_i32 = arith.constant 0 : i32
    %c0_i32_0 = arith.constant 0 : i32
    %c0_i32_1 = arith.constant 0 : i32
    return %c0_i32, %c0_i32_0 : i32, i32
  }
  func.func @transform_7(%arg0: i32) -> (i32, i32) {
    %c0_i32 = arith.constant 0 : i32
    %c0_i32_0 = arith.constant 0 : i32
    return %arg0, %c0_i32 : i32, i32
  }
  func.func @transform_8(%arg0: i32) -> (i32, i32) {
    %c0_i32 = arith.constant 0 : i32
    %c0_i32_0 = arith.constant 0 : i32
    return %arg0, %c0_i32 : i32, i32
  }
}

module attributes {stable_mosaic.version = 14 : i64} {
  func.func @_tc_c(%arg0: i32, %arg1: memref<512x256xf32, #tpu.memory_space<vmem>>, %arg2: memref<2x512x128xf32, #tpu.memory_space<vmem>>, %arg3: memref<2x512x128xf32, #tpu.memory_space<vmem>>, %arg4: memref<256x128xf32, #tpu.memory_space<vmem>>, %arg5: memref<1x128xf32, #tpu.memory_space<vmem>>, %arg6: memref<512x128xf32, #tpu.memory_space<vmem>>) attributes {dimension_semantics = [#tpu.dimension_semantics<arbitrary>], iteration_bounds = array<i64: 20>, scalar_prefetch = 0 : i64, scratch_operands = 0 : i64, tpu.core_type = #tpu.core_type<tc>, window_params = [{transform_indices = @transform_0, window_bounds = array<i64: 512, 256>}, {transform_indices = @transform_1, window_bounds = array<i64: 2, 512, 128>}, {transform_indices = @transform_2, window_bounds = array<i64: 2, 512, 128>}, {pipeline_mode = #tpu.pipeline_mode<synchronous>, transform_indices = @transform_3, window_bounds = array<i64: 256, 128>}, {pipeline_mode = #tpu.pipeline_mode<synchronous>, transform_indices = @transform_4, window_bounds = array<i64: 1, 128>}, {transform_indices = @transform_5, window_bounds = array<i64: 512, 128>}]} {
    %get3A = arith.constant 0 : index
    %get3A_0 = arith.constant 0 : index
    %get3A_1 = arith.constant 0 : index
    %get3A_2 = vector.load %arg2[%get3A, %get3A_0, %get3A_1] : memref<2x512x128xf32, #tpu.memory_space<vmem>>, vector<1x512x128xf32>
    %get3A_3 = vector.shape_cast %get3A_2 : vector<1x512x128xf32> to vector<512x128xf32>
    %get3A_4 = arith.constant 1 : index
    %get3A_5 = arith.constant 0 : index
    %get3A_6 = arith.constant 0 : index
    %get3A_7 = vector.load %arg2[%get3A_4, %get3A_5, %get3A_6] : memref<2x512x128xf32, #tpu.memory_space<vmem>>, vector<1x512x128xf32>
    %get3A_8 = vector.shape_cast %get3A_7 : vector<1x512x128xf32> to vector<512x128xf32>
    %add3A = arith.addf %get3A_3, %get3A_8 : vector<512x128xf32>
    %get3A_9 = arith.constant 0 : index
    %get3A_10 = arith.constant 0 : index
    %get3A_11 = arith.constant 0 : index
    %get3A_12 = vector.load %arg3[%get3A_9, %get3A_10, %get3A_11] : memref<2x512x128xf32, #tpu.memory_space<vmem>>, vector<1x512x128xf32>
    %get3A_13 = vector.shape_cast %get3A_12 : vector<1x512x128xf32> to vector<512x128xf32>
    %slice3A = vector.extract_strided_slice %get3A_13 {offsets = [0, 0], sizes = [512, 1], strides = [1, 1]} : vector<512x128xf32> to vector<512x1xf32>
    %get3A_14 = arith.constant 1 : index
    %get3A_15 = arith.constant 0 : index
    %get3A_16 = arith.constant 0 : index
    %get3A_17 = vector.load %arg3[%get3A_14, %get3A_15, %get3A_16] : memref<2x512x128xf32, #tpu.memory_space<vmem>>, vector<1x512x128xf32>
    %get3A_18 = vector.shape_cast %get3A_17 : vector<1x512x128xf32> to vector<512x128xf32>
    %slice3A_19 = vector.extract_strided_slice %get3A_18 {offsets = [0, 0], sizes = [512, 1], strides = [1, 1]} : vector<512x128xf32> to vector<512x1xf32>
    %add3A_20 = arith.addf %slice3A, %slice3A_19 : vector<512x1xf32>
    %max3A = arith.constant 1.000000e+00 : f32
    %max3A_21 = vector.broadcast %max3A : f32 to vector<512x1xf32>
    %max3A_22 = arith.maximumf %add3A_20, %max3A_21 : vector<512x1xf32>
    %div3A = arith.constant 1.000000e+00 : f32
    %div3A_23 = vector.broadcast %div3A : f32 to vector<512x1xf32>
    %div3A_24 = arith.divf %div3A_23, %max3A_22 : vector<512x1xf32>
    %mul3A = vector.broadcast %div3A_24 : vector<512x1xf32> to vector<512x128xf32>
    %mul3A_25 = arith.mulf %add3A, %mul3A : vector<512x128xf32>
    %get3A_26 = arith.constant 0 : index
    %get3A_27 = arith.constant 0 : index
    %get3A_28 = vector.load %arg1[%get3A_26, %get3A_27] : memref<512x256xf32, #tpu.memory_space<vmem>>, vector<512x256xf32>
    %get3A_29 = arith.constant 0 : index
    %get3A_30 = arith.constant 0 : index
    %get3A_31 = vector.load %arg4[%get3A_29, %get3A_30] : memref<256x128xf32, #tpu.memory_space<vmem>>, vector<256x128xf32>
    %dot_general3A = arith.constant dense<0.000000e+00> : vector<512x128xf32>
    %dot_general3A_32 = tpu.matmul %get3A_28, %get3A_31, %dot_general3A {dimension_numbers = #tpu.dot_dimension_numbers<[1], [0], [0], [1], [0, 0, 1, 1], [], []>, transpose_lhs_hint = false} : vector<512x256xf32>, vector<256x128xf32>, vector<512x128xf32> -> vector<512x128xf32>
    %add3A_33 = arith.addf %dot_general3A_32, %mul3A_25 : vector<512x128xf32>
    %get3A_34 = arith.constant 0 : index
    %get3A_35 = arith.constant 0 : index
    %get3A_36 = vector.load %arg5[%get3A_34, %get3A_35] : memref<1x128xf32, #tpu.memory_space<vmem>>, vector<1x128xf32>
    %add3A_37 = vector.broadcast %get3A_36 : vector<1x128xf32> to vector<512x128xf32>
    %add3A_38 = arith.addf %add3A_33, %add3A_37 : vector<512x128xf32>
    %swap3A = arith.constant 0 : index
    %swap3A_39 = arith.constant 0 : index
    %swap3A_40 = vector.load %arg6[%swap3A, %swap3A_39] : memref<512x128xf32, #tpu.memory_space<vmem>>, vector<512x128xf32>
    tpu.vector_store %arg6[%swap3A, %swap3A_39], %add3A_38 {strides = array<i32>} : memref<512x128xf32, #tpu.memory_space<vmem>>, vector<512x128xf32>,
    return
  }
  func.func @transform_0(%arg0: i32) -> (i32, i32) {
    %c0_i32 = arith.constant 0 : i32
    %c0_i32_0 = arith.constant 0 : i32
    return %arg0, %c0_i32 : i32, i32
  }
  func.func @transform_1(%arg0: i32) -> (i32, i32, i32) {
    %c0_i32 = arith.constant 0 : i32
    %c0_i32_0 = arith.constant 0 : i32
    %c0_i32_1 = arith.constant 0 : i32
    return %c0_i32, %arg0, %c0_i32_0 : i32, i32, i32
  }
  func.func @transform_2(%arg0: i32) -> (i32, i32, i32) {
    %c0_i32 = arith.constant 0 : i32
    %c0_i32_0 = arith.constant 0 : i32
    %c0_i32_1 = arith.constant 0 : i32
    return %c0_i32, %arg0, %c0_i32_0 : i32, i32, i32
  }
  func.func @transform_3(%arg0: i32) -> (i32, i32) {
    %c0_i32 = arith.constant 0 : i32
    %c0_i32_0 = arith.constant 0 : i32
    %c0_i32_1 = arith.constant 0 : i32
    return %c0_i32, %c0_i32_0 : i32, i32
  }
  func.func @transform_4(%arg0: i32) -> (i32, i32) {
    %c0_i32 = arith.constant 0 : i32
    %c0_i32_0 = arith.constant 0 : i32
    %c0_i32_1 = arith.constant 0 : i32
    return %c0_i32, %c0_i32_0 : i32, i32
  }
  func.func @transform_5(%arg0: i32) -> (i32, i32) {
    %c0_i32 = arith.constant 0 : i32
    %c0_i32_0 = arith.constant 0 : i32
    return %arg0, %c0_i32 : i32, i32
  }
}

</mosaic_0001>

<sc_bundles>
// kernel: kernel.12.cloned.1.call-start
scs
__scs_entry_jumppad:
0x0: {  	(pc) =	sbr.rel $0x88, $3  }
0x1: {  	(tag) =	ssettag $0x0;
	lr =	simm.s32 $0x1  }
0x2: {  	[smem:$0x3F96] =	sst lr;
	_ =	strace $0xD0000000  }
0x3: {  	_ = 	snop  }
0x4: {  	_ = 	snop  }
0x5: {  	_ = 	snop  }
0x6: {  	_ = 	snop  }
0x7: {  	_ = 	snop  }
__scs_overlays_trampoline_lowered:
0x8: {  	[smem:$0x3FA5] =	sst s0  }
0x9: {  	[smem:$0x3FA6] =	sst s1  }
0xa: {  	[smem:$0x3FA7] =	sst s2  }
0xb: {  	[smem:$0x3FA8] =	sst s3  }
0xc: {  	[smem:$0x3FA9] =	sst s4  }
0xd: {  	[smem:$0x3FAA] =	sst s5  }
0xe: {  	[smem:$0x3FAB] =	sst s6  }
0xf: {  	[smem:$0x3FAC] =	sst s7  }
0x10: {  	[smem:$0x3FAD] =	sst s8  }
0x11: {  	[smem:$0x3FAE] =	sst s9;
	s0 =	simm.s32 @!p0 $0x0  }
0x12: {  	s1 =	sld [smem:$0x3F94];
	s0 =	simm.s32 @p0 $0x1  }
0x13: {  	[smem:$0x3FAF] =	sst s0;
	s0 =	simm.s32 @!p1 $0x0  }
0x14: {  	s2 =	sld [smem:$0x3F93];
	s0 =	simm.s32 @p1 $0x1  }
0x15: {  	[smem:$0x3FB0] =	sst s0;
	s0 =	simm.s32 @!p2 $0x0  }
0x16: {  	s3 =	sld [smem:$0x3FDB];
	s0 =	simm.s32 @p2 $0x1  }
0x17: {  	s4 =	simm.s32 $0x1BF5;
	[smem:$0x3FB2] =	sst s0  }
0x18: {  	s0 =	sld [smem:$0x3F95];
	_ =	swait.ge [sflag:s4], $0x0  }
0x19: {  	s7 =	sld [smem:$0x3F96]  }
0x1a: {  	s8 =	sadd.s32 $0xFFFFE003, lr  }
0x1b: {  	s9 =	sadd.s32 $0xFFFFFEF7, lr;
	s5 =	simm.s32 $0xFFFFFFFF;
	p2 =	slt.u32 s8, $0xFFFFF086  }
0x1c: {  	p1 =	slt.u32 s9, $0xF7A;
	s5 =	simm.s32 @!p2 $0x0  }
0x1d: {  	s5 =	simm.s32 @p1 $0x1;
	p0 =	seq.s32 s7, s2  }
0x1e: {  	s7 =	smul.u32 @!p0 $0xF7A, s2;
	p2 =	seq.s32 @!p0 s5, $0x0  }
0x1f: {  	s9 =	smul.u32 $0xF7A, s1;
	s8 =	simm.s32 @!p0 $0x1BF5;
	p2 =	por !p2, p0  }
0x20: {  	[sflag:s8] =	ssyncset.s32 @!p0 $0xFFFFF086;
	s6 =	sadd.s32 @!p0 s3, s7;
	s7 =	simm.s32 @!p0 $0x108  }
0x21: {  	s3 =	sadd.s32 s3, s9;
	s6 =	sadd.s32 @!p0 $0x88, s6;
	s7 =	simm.s32 @p2 $0x1082  }
0x22: {  	[simem:s7], [sflag:s8] =	dma.local @!p0 [hbm:s6], $0xF7A  }
0x23: {  	s9 =	sor.u32 $0xD0000000, s2;
	s6 =	simm.s32 $0x108;
	_ =	swait.ge @!p0 [sflag:s8], $0x0  }
0x24: {  	s3 =	sadd.s32 $0x88, s3;
	s6 =	simm.s32 @!p1 $0x1082;
	[sflag:s4] =	ssyncset.s32 $0xFFFFF086  }
0x25: {  	[simem:s6], [sflag:s4] =	dma.local [hbm:s3], $0xF7A  }
0x26: {  	[smem:$0x3F96] =	sst s1;
	(tag) =	ssettag s2;
	_ =	strace s9  }
0x27: {  	s1 =	sld [smem:$0x3FA6]  }
0x28: {  	s2 =	sld [smem:$0x3FA7]  }
0x29: {  	s4 =	sld [smem:$0x3FA9]  }
0x2a: {  	p0 =	seq.s32 s5, $0x0;
	s5 =	sld [smem:$0x3FAA]  }
0x2b: {  	s6 =	sld [smem:$0x3FAB]  }
0x2c: {  	s7 =	sld [smem:$0x3FAC]  }
0x2d: {  	s3 =	simm.s32 $0x108;
	s8 =	sld [smem:$0x3FAD]  }
0x2e: {  	s3 =	simm.s32 @!p0 $0x1082;
	s9 =	sld [smem:$0x3FAE]  }
0x2f: {  	lr =	sadd.s32 s0, s3;
	s0 =	sld [smem:$0x3FA5]  }
0x30: {  	s3 =	sld [smem:$0x3FA8]  }
0x31: {  	[smem:$0x3FB1] =	sst s10  }
0x32: {  	s10 =	sld [smem:$0x3FAF];
	_ =	sdelay $0x3  }
0x33: {  	p0 =	seq.s32 s10, $0x1;
	s10 =	sld [smem:$0x3FB1];
	_ =	sdelay $0x3  }
0x34: {  	[smem:$0x3FB1] =	sst s10  }
0x35: {  	s10 =	sld [smem:$0x3FB0];
	_ =	sdelay $0x3  }
0x36: {  	p1 =	seq.s32 s10, $0x1;
	s10 =	sld [smem:$0x3FB1];
	_ =	sdelay $0x3  }
0x37: {  	[smem:$0x3FB1] =	sst s10  }
0x38: {  	s10 =	sld [smem:$0x3FB2]  }
0x39: {  	_ = 	snop;
	(pc) =	sbr.ind lr, $3  }
0x3a: {  	_ = 	snop  }
0x3b: {  	_ = 	snop  }
0x3c: {  	p2 =	seq.s32 s10, $0x1;
	s10 =	sld [smem:$0x3FB1]  }
0x3d: {  	_ =	shalt  }
0x3e: {  	_ =	shalt  }
0x3f: {  	_ =	shalt  }
0x40: {  	_ =	shalt  }
0x41: {  	_ =	shalt  }
0x42: {  	_ =	shalt  }
0x43: {  	_ =	shalt  }
0x44: {  	_ =	shalt  }
0x45: {  	_ =	shalt  }
0x46: {  	_ =	shalt  }
0x47: {  	_ =	shalt  }
0x48: {  	_ =	shalt  }
0x49: {  	_ =	shalt  }
0x4a: {  	_ =	shalt  }
0x4b: {  	_ =	shalt  }
0x4c: {  	_ =	shalt  }
0x4d: {  	_ =	shalt  }
0x4e: {  	_ =	shalt  }
0x4f: {  	_ =	shalt  }
0x50: {  	_ =	shalt  }
0x51: {  	_ =	shalt  }
0x52: {  	_ =	shalt  }
0x53: {  	_ =	shalt  }
0x54: {  	_ =	shalt  }
0x55: {  	_ =	shalt  }
0x56: {  	_ =	shalt  }
0x57: {  	_ =	shalt  }
0x58: {  	_ =	shalt  }
0x59: {  	_ =	shalt  }
0x5a: {  	_ =	shalt  }
0x5b: {  	_ =	shalt  }
0x5c: {  	_ =	shalt  }
0x5d: {  	_ =	shalt  }
0x5e: {  	_ =	shalt  }
0x5f: {  	_ =	shalt  }
0x60: {  	_ =	shalt  }
0x61: {  	_ =	shalt  }
0x62: {  	_ =	shalt  }
0x63: {  	_ =	shalt  }
0x64: {  	_ =	shalt  }
0x65: {  	_ =	shalt  }
0x66: {  	_ =	shalt  }
0x67: {  	_ =	shalt  }
0x68: {  	_ =	shalt  }
0x69: {  	_ =	shalt  }
0x6a: {  	_ =	shalt  }
0x6b: {  	_ =	shalt  }
0x6c: {  	_ =	shalt  }
0x6d: {  	_ =	shalt  }
0x6e: {  	_ =	shalt  }
0x6f: {  	_ =	shalt  }
0x70: {  	_ =	shalt  }
0x71: {  	_ =	shalt  }
0x72: {  	_ =	shalt  }
0x73: {  	_ =	shalt  }
0x74: {  	_ =	shalt  }
0x75: {  	_ =	shalt  }
0x76: {  	_ =	shalt  }
0x77: {  	_ =	shalt  }
0x78: {  	_ =	shalt  }
0x79: {  	_ =	shalt  }
0x7a: {  	_ =	shalt  }
0x7b: {  	_ =	shalt  }
0x7c: {  	_ =	shalt  }
0x7d: {  	_ =	shalt  }
0x7e: {  	_ =	shalt  }
0x7f: {  	_ =	shalt  }
0x80: {  	_ =	shalt  }
0x81: {  	_ =	shalt  }
0x82: {  	_ =	shalt  }
0x83: {  	_ =	shalt  }
0x84: {  	_ =	shalt  }
0x85: {  	_ =	shalt  }
0x86: {  	_ =	shalt  }
0x87: {  	_ =	shalt  }
.Lfunc_end0:
.L_simem_size_0:
called_computation.1_lowered:
.L_overlay_start_0:
0x88: {  	s2 =	sld [smem:$0x3FD9]  }
0x89: {  	s3 =	sld [smem:$0x3FFE];
	_ =	sdelay $0x1  }
0x8a: {  	s1 =	srdreg.scid  }
0x8b: {  	s0 =	sand.u32 $0x1, s1  }
0x8c: {  	s17 =	sshll.u32 s0, $0xA;
	s2 =	sadd.s32 s3, s2  }
0x8d: {  	s2 =	sadd.s32 s2, s17  }
0x8e: {  	[smem:$0x3FBD] =	sst s2  }
0x8f: {  	_ = 	snop  }
0x90: {  	s2 =	sld [smem:$0x3FD0];
	(tm) =	ssettm $0x1  }
0x91: {  	s18 =	sld [smem:$0x3FFB];
	_ =	sdelay $0x3  }
0x92: {  	_ =	strace s18  }
0x93: {  	s3 =	sld [smem:$0x3FFC];
	_ =	sdelay $0x3  }
0x94: {  	_ =	strace s3  }
0x95: {  	s3 =	sld [smem:$0x3FFD];
	_ =	sdelay $0x3  }
0x96: {  	_ =	strace s3  }
0x97: {  	_ =	strace $0x8FFFFFFF  }
0x98: {  	s19 =	sld [smem:$0x3FDB];
	_ =	sdelay $0x1  }
0x99: {  	s4 =	simm.s32 $_scs_section_size  }
0x9a: {  	s5 =	simm.s32 $_size__tile_overlayer_lowered;
	s6 =	simm.s32 $_tile_overlayer_lowered  }
0x9b: {  	s22 =	simm.s32 $0x1BFF;
	s21 =	sshll.u32 s6, $0x1;
	s3 =	sadd.s32 s4, s19  }
0x9c: {  	s7 =	simm.s32 $0x0;
	s20 =	sshll.u32 s5, $0x1;
	s5 =	sadd.s32 s21, s3  }
0x9d: {  	[timem:s7], [sflag:s22] =	dma.local [hbm:s5], s20  }
0x9e: {  	_ =	swait.ge [sflag:s22], s20  }
0x9f: {  	s4 =	ssub.s32 $0x0, s20;
	[sflag:s22] =	ssyncset.done $0x0  }
0xa0: {  	[sflag:s22] =	ssyncadd.s32 s4;
	_ =	sdelay $0x1  }
0xa1: {  	s23 =	simm.s32 $0x1B8B  }
0xa2: {  	_ =	swait.ge [sflag:s23], $0x1  }
0xa3: {  	[sflag:s23] =	ssyncset.done $0x0  }
0xa4: {  	s25 =	simm.s32 $0x1B8E;
	s24 =	sld [smem:$0x3FFE];
	[sflag:s23] =	ssyncadd.s32 $0xFFFFFFFF  }
0xa5: {  	s26 =	simm.s32 $execute0_lowered;
	[smem:$0x3FD2] =	sst s25  }
0xa6: {  	s5 =	sshll.u32 s26, $0x1;
	_ =	strace $0x80000046;
	[dreg:$0x1] =	wrdreg $0xFFFFFFFF  }
0xa7: {  	s28 =	simm.s32 $_size_execute0_lowered;
	s3 =	sadd.s32 s3, s5;
	[dreg:$0x0] =	wrdreg $0x0  }
0xa8: {  	s5 =	sshll.u32 s28, $0x1;
	[dreg:$0x2] =	wrdreg s3  }
0xa9: {  	[dreg:$0x3] =	wrdreg s5  }
0xaa: {  	[dreg:$0x4] =	wrdreg $0xC0  }
0xab: {  	_ =	task [dreg:s7], $0x5FFFF  }
0xac: {  	[dreg:$0x1] =	wrdreg $0xFFFFFFFF  }
0xad: {  	[dreg:$0x0] =	wrdreg $0x60  }
0xae: {  	[dreg:$0x2] =	wrdreg s24  }
0xaf: {  	[dreg:$0x3] =	wrdreg s2  }
0xb0: {  	[dreg:$0x4] =	wrdreg $0x41000  }
0xb1: {  	[dreg:$0x5] =	wrdreg $0xA  }
0xb2: {  	_ =	task.clear_ibuf [dreg:s7], $0x6FFFF;
	_ =	strace $0x90000046  }
0xb3: {  	s29 =	simm.s32 $0xA;
	_ =	strace $0x80000048  }
0xb4: {  	_ =	swait.ge [sflag:s29], $0x1  }
0xb5: {  	[sflag:s29] =	ssyncadd.s32 $0xFFFFFFFF  }
0xb6: {  	_ =	strace $0x90000048  }
0xb7: {  	_ =	sfence  }
0xb8: {  	s30 =	sld [smem:$0x0];
	_ =	sdelay $0x2  }
0xb9: {  	s31 =	sshll.u32 s1, $0xD;
	s1 =	sshrl.u32 s1, $0x2  }
0xba: {  	s3 =	sand.u32 $0x4000, s31;
	s1 =	sadd.s32 s1, s30  }
0xbb: {  	s0 =	sor.u32 s3, s0;
	s1 =	sshll.u32 s1, $0x11  }
0xbc: {  	s0 =	sor.u32 s1, s0  }
0xbd: {  	s0 =	sadd.s32 $0x8F2B, s0  }
0xbe: {  	[sflag:s0] =	ssyncadd.remote.s32 $0x1  }
0xbf: {  	_ =	sfence.sel $0xFFFF  }
0xc0: {  	[dreg:$0x0] =	wrdreg $0xFFFFFFFF;
	(pc) =	sbr.abs _section_cstart, $3  }
0xc1: {  	[dreg:$0x1] =	wrdreg $0xFFFFFFFF  }
0xc2: {  	_ =	task.clear_ibuf [dreg:s7], $0x2FFFF;
	_ =	strace $0x9FFFFFFF  }
0xc3: {  	(tm) =	ssettm $0x7FFFFFFF  }
tec
execute0_lowered:
.L_overlay_start_1:
0x0: {  	(tag) =	ssettag $0x1  }
0x1: {  	s6 =	rddreg [dreg:$0x0]  }
0x2: {  	s12 =	rddreg [dreg:$0x1]  }
0x3: {  	s2 =	rddreg [dreg:$0x2]  }
0x4: {  	s0 =	rddreg [dreg:$0x3];
	s3 =	simm.s32 $0x0;
	s1 =	stileid.u32  }
0x5: {  	s5 =	srdreg.scid;
	s17 =	simm.s32 $0x2;
	s18 =	simm.s32 $0x80  }
0x6: {  	s19 =	simm.s32 $0x100;
	s20 =	simm.s32 $0x1;
	s13 =	smul.u32 $0x9E0, s1  }
0x7: {  	s21 =	simm.s32 $0x0;
	[smem:$0x7FF] =	sst s3;
	s8 =	smul.u32 $0x50000, s1  }
0x8: {  	s4 =	sadd.s32 $0xCA00, s6;
	s7 =	sand.u32 $0x1, s5;
	s5 =	smul.u32 $0x2800, s1  }
0x9: {  	s9 =	sadd.s32 $0x34A00, s6;
	s15 =	smul.u32 $0x14000, s1;
	s31 =	sshll.u32 s1, $0x6  }
0xa: {  	_ =	strace $0x80000047;
	s10 =	ssub.s32 $0x2, s7;
	p0 =	seq.s32 s7, $0x1  }
0xb: {  	s14 =	sadd.s32 s13, s6;
	s6 =	sadd.s32 $0x5CA00, s6;
	s11 =	sshrl.u32 s10, $0x1  }
.Ltmp0:
0xc: {  	s29 =	sshrl.u32 s8, $0x2;
	s7 =	sadd.s32 s9, s5;
	(pc) =	sbr.rel .LBB2_1-.Ltmp0, $4  }
0xd: {  	s30 =	sshrl.u32 s15, $0x3;
	s12 =	sadd.s32 s13, s12;
	s15 =	sor.u32 $0x1C02, s31  }
0xe: {  	s10 =	ssub.s32 s10, s11;
	s16 =	sadd.s32 s29, s2;
	s8 =	sadd.s32 s9, s30  }
0xf: {  	s9 =	sadd.s32 $0x28000, s30;
	s11 =	sadd.s32 $0x2C00, s14;
	s13 =	sadd.s32 $0x30F0, s14  }
0x10: {  	s14 =	sadd.s32 $0x4F0, s12;
	s10 =	smax.u32 s10, $0x1;
	s16 =	sshrl.u32 s16, $0x3  }
.LBB2_7:
0x11: {  	s23 =	sadd.s32 s22, s14;
	[sflag:s17] =	ssyncadd.s32 $0xFFFFC000  }
0x12: {  	[tilespmem:s3], [sflag:$0x2] =	stream.linear.gather [hbm4b:s23+s3], $0x80, $0x38;
	[tilespmem:$0x18100] =	vst v63  }
0x13: {  	_ =	swait.ge [sflag:s17], $0x80  }
0x14: {  	[sflag:s17] =	ssyncset.done $0x0  }
0x15: {  	s31 =	sadd.s32 s22, s13;
	[sflag:s17] =	ssyncadd.s32 $0xFFFFFF80  }
0x16: {  	[tilespmem:s18], [sflag:$0x2] =	stream.linear.gather [hbm4b:s31+s3], $0x80, $0x38;
	[tilespmem:$0x18100] =	vst v63  }
0x17: {  	_ =	swait.ge [sflag:s17], $0x80  }
0x18: {  	[sflag:s17] =	ssyncset.done $0x0  }
0x19: {  	[sflag:s17] =	ssyncadd.s32 $0xFFFFFF80  }
0x1a: {  	[tilespmem:s19], [sflag:$0x1] =	stream.indirect.gather [hbm4b:s4+s18], $0x80, s3, s18, $0xb8;
	[tilespmem:$0x18100] =	vst v63  }
0x1b: {  	_ =	swait.ge [sflag:s20], $0x4000  }
0x1c: {  	[sflag:s20] =	ssyncset.done $0x0  }
0x1d: {  	[sflag:s20] =	ssyncadd.s32 $0xFFFFC000  }
0x1e: {  	[spmem:s2] =	stream.indirect.scatter.add.f32 [tilespmem:s19], [sflag:$0x2], $0x80, s18, s18, $0xb8;
	[tilespmem:$0x18100] =	vst v63  }
0x1f: {  	_ =	swait.ge [sflag:s17], $0x4000  }
0x20: {  	[sflag:s17] =	ssyncset.done $0x0  }
0x21: {  	s22 =	smov.u32 s9;
	[sflag:s17] =	ssyncadd.s32 $0xFFFFC000  }
.LBB2_8:
0x22: {  	s21 =	sadd.s32 $0x1, s21  }
0x23: {  	p1 =	sne.s32 s21, s10  }
.Ltmp1:
0x24: {  	s22 =	sadd.s32 s6, s22;
	[bflag:$0x0] =	sbarrier.arrive $0xFFFF;
	(pc) =	sbr.rel @!p1 .LBB2_9-.Ltmp1, $4  }
0x25: {  	[hbm:s22], [sflag:s15] =	dma.local [spmem:s16], $0x2800  }
0x26: {  	_ =	swait.ge [sflag:s17], $0x2800  }
0x27: {  	[sflag:s17] =	ssyncset.done $0x0  }
0x28: {  	[sflag:s17] =	ssyncadd.s32 $0xFFFFD800  }
.LBB2_1:
.Ltmp2:
0x29: {  	(pc) =	sbr.rel @!p0 .LBB2_2-.Ltmp2, $1  }
0x2a: {  	_ =	sdelay $0x3  }
0x2b: {  	[spmem:s16], [sflag:s15] =	dma.local [hbm:s8], $0x2800  }
0x2c: {  	_ =	swait.ge [sflag:s17], $0x2800  }
0x2d: {  	[sflag:s17] =	ssyncset.done $0x0  }
0x2e: {  	[sflag:s17] =	ssyncadd.s32 $0xFFFFD800  }
0x2f: {  	s22 =	sadd.s32 $0x0, s14;
	[bflag:$0x0] =	sbarrier.arrive $0xFFFF  }
0x30: {  	[tilespmem:s3], [sflag:$0x2] =	stream.linear.gather [hbm4b:s22+s3], $0x80, $0x38;
	[tilespmem:$0x18100] =	vst v63  }
0x31: {  	_ =	swait.ge [sflag:s17], $0x80  }
0x32: {  	[sflag:s17] =	ssyncset.done $0x0  }
0x33: {  	s31 =	sadd.s32 $0x0, s13;
	[sflag:s17] =	ssyncadd.s32 $0xFFFFFF80  }
0x34: {  	[tilespmem:s18], [sflag:$0x2] =	stream.linear.gather [hbm4b:s31+s3], $0x80, $0x38;
	[tilespmem:$0x18100] =	vst v63  }
0x35: {  	_ =	swait.ge [sflag:s17], $0x80  }
0x36: {  	[sflag:s17] =	ssyncset.done $0x0  }
0x37: {  	[sflag:s17] =	ssyncadd.s32 $0xFFFFFF80  }
0x38: {  	[tilespmem:s19], [sflag:$0x1] =	stream.indirect.gather [hbm4b:s4+s18], $0x80, s3, s18, $0xb8;
	[tilespmem:$0x18100] =	vst v63  }
0x39: {  	_ =	swait.ge [sflag:s20], $0x4000  }
0x3a: {  	[sflag:s20] =	ssyncset.done $0x0  }
0x3b: {  	[sflag:s20] =	ssyncadd.s32 $0xFFFFC000  }
0x3c: {  	[spmem:s2] =	stream.indirect.scatter.add.f32 [tilespmem:s19], [sflag:$0x2], $0x80, s18, s18, $0xb8;
	[tilespmem:$0x18100] =	vst v63  }
0x3d: {  	_ =	swait.ge [sflag:s17], $0x4000  }
0x3e: {  	s23 =	simm.s32 $0x20;
	s22 =	simm.s32 $0x10;
	[sflag:s17] =	ssyncset.done $0x0  }
.LBB2_6:
0x3f: {  	s24 =	sadd.s32 s22, s14  }
0x40: {  	[sflag:s17] =	ssyncadd.s32 $0xFFFFC000;
	s25 =	smov.u32 s23;
	s26 =	sadd.s32 $0x10, s23  }
0x41: {  	[tilespmem:s3], [sflag:$0x2] =	stream.linear.gather [hbm4b:s24+s3], $0x80, $0x38;
	[tilespmem:$0x18100] =	vst v63  }
0x42: {  	p1 =	sne.s32 s23, $0x4E0;
	_ =	swait.ge [sflag:s17], $0x80  }
0x43: {  	[sflag:s17] =	ssyncset.done $0x0  }
0x44: {  	s23 =	sadd.s32 s22, s13;
	s22 =	smov.u32 s25;
	[sflag:s17] =	ssyncadd.s32 $0xFFFFFF80  }
0x45: {  	[tilespmem:s18], [sflag:$0x2] =	stream.linear.gather [hbm4b:s23+s3], $0x80, $0x38;
	[tilespmem:$0x18100] =	vst v63  }
0x46: {  	_ =	swait.ge [sflag:s17], $0x80  }
0x47: {  	[sflag:s17] =	ssyncset.done $0x0  }
0x48: {  	[sflag:s17] =	ssyncadd.s32 $0xFFFFFF80  }
0x49: {  	[tilespmem:s19], [sflag:$0x1] =	stream.indirect.gather [hbm4b:s4+s18], $0x80, s3, s18, $0xb8;
	[tilespmem:$0x18100] =	vst v63  }
0x4a: {  	_ =	swait.ge [sflag:s20], $0x4000  }
.Ltmp3:
0x4b: {  	[sflag:s20] =	ssyncset.done $0x0;
	(pc) =	sbr.rel @p1 .LBB2_6-.Ltmp3, $4  }
0x4c: {  	[sflag:s20] =	ssyncadd.s32 $0xFFFFC000  }
0x4d: {  	[spmem:s2] =	stream.indirect.scatter.add.f32 [tilespmem:s19], [sflag:$0x2], $0x80, s18, s18, $0xb8;
	[tilespmem:$0x18100] =	vst v63  }
0x4e: {  	_ =	swait.ge [sflag:s17], $0x4000  }
0x4f: {  	s23 =	smov.u32 s26;
	[sflag:s17] =	ssyncset.done $0x0  }
.Ltmp4:
0x50: {  	_ = 	snop;
	(pc) =	sbr.rel .LBB2_7-.Ltmp4, $1  }
0x51: {  	_ =	sdelay $0x3  }
.LBB2_2:
0x52: {  	[spmem:s16], [sflag:s15] =	dma.local [hbm:s7], $0x2800  }
0x53: {  	_ =	swait.ge [sflag:s17], $0x2800  }
0x54: {  	[sflag:s17] =	ssyncset.done $0x0  }
0x55: {  	[sflag:s17] =	ssyncadd.s32 $0xFFFFD800  }
0x56: {  	s22 =	sadd.s32 $0x0, s12;
	[bflag:$0x0] =	sbarrier.arrive $0xFFFF  }
0x57: {  	[tilespmem:s3], [sflag:$0x2] =	stream.linear.gather [hbm4b:s22+s3], $0x80, $0x38;
	[tilespmem:$0x18100] =	vst v63  }
0x58: {  	_ =	swait.ge [sflag:s17], $0x80  }
0x59: {  	[sflag:s17] =	ssyncset.done $0x0  }
0x5a: {  	s31 =	sadd.s32 $0x0, s11;
	[sflag:s17] =	ssyncadd.s32 $0xFFFFFF80  }
0x5b: {  	[tilespmem:s18], [sflag:$0x2] =	stream.linear.gather [hbm4b:s31+s3], $0x80, $0x38;
	[tilespmem:$0x18100] =	vst v63  }
0x5c: {  	_ =	swait.ge [sflag:s17], $0x80  }
0x5d: {  	[sflag:s17] =	ssyncset.done $0x0  }
0x5e: {  	[sflag:s17] =	ssyncadd.s32 $0xFFFFFF80  }
0x5f: {  	[tilespmem:s19], [sflag:$0x1] =	stream.indirect.gather [hbm4b:s4+s18], $0x80, s3, s18, $0xb8;
	[tilespmem:$0x18100] =	vst v63  }
0x60: {  	_ =	swait.ge [sflag:s20], $0x4000  }
0x61: {  	[sflag:s20] =	ssyncset.done $0x0  }
0x62: {  	[sflag:s20] =	ssyncadd.s32 $0xFFFFC000  }
0x63: {  	[spmem:s2] =	stream.indirect.scatter.add.f32 [tilespmem:s19], [sflag:$0x2], $0x80, s18, s18, $0xb8;
	[tilespmem:$0x18100] =	vst v63  }
0x64: {  	_ =	swait.ge [sflag:s17], $0x4000  }
0x65: {  	s23 =	simm.s32 $0x20;
	s22 =	simm.s32 $0x10;
	[sflag:s17] =	ssyncset.done $0x0  }
.LBB2_3:
0x66: {  	s24 =	sadd.s32 s22, s12  }
0x67: {  	[sflag:s17] =	ssyncadd.s32 $0xFFFFC000;
	s25 =	smov.u32 s23;
	s26 =	sadd.s32 $0x10, s23  }
0x68: {  	[tilespmem:s3], [sflag:$0x2] =	stream.linear.gather [hbm4b:s24+s3], $0x80, $0x38;
	[tilespmem:$0x18100] =	vst v63  }
0x69: {  	p1 =	seq.s32 s23, $0x4E0;
	_ =	swait.ge [sflag:s17], $0x80  }
0x6a: {  	[sflag:s17] =	ssyncset.done $0x0  }
0x6b: {  	s23 =	sadd.s32 s22, s11;
	s22 =	smov.u32 s25;
	[sflag:s17] =	ssyncadd.s32 $0xFFFFFF80  }
0x6c: {  	[tilespmem:s18], [sflag:$0x2] =	stream.linear.gather [hbm4b:s23+s3], $0x80, $0x38;
	[tilespmem:$0x18100] =	vst v63  }
0x6d: {  	_ =	swait.ge [sflag:s17], $0x80  }
0x6e: {  	[sflag:s17] =	ssyncset.done $0x0  }
0x6f: {  	[sflag:s17] =	ssyncadd.s32 $0xFFFFFF80  }
0x70: {  	[tilespmem:s19], [sflag:$0x1] =	stream.indirect.gather [hbm4b:s4+s18], $0x80, s3, s18, $0xb8;
	[tilespmem:$0x18100] =	vst v63  }
0x71: {  	_ =	swait.ge [sflag:s20], $0x4000  }
.Ltmp5:
0x72: {  	[sflag:s20] =	ssyncset.done $0x0;
	(pc) =	sbr.rel @!p1 .LBB2_3-.Ltmp5, $4  }
0x73: {  	[sflag:s20] =	ssyncadd.s32 $0xFFFFC000  }
0x74: {  	[spmem:s2] =	stream.indirect.scatter.add.f32 [tilespmem:s19], [sflag:$0x2], $0x80, s18, s18, $0xb8;
	[tilespmem:$0x18100] =	vst v63  }
0x75: {  	_ =	swait.ge [sflag:s17], $0x4000  }
0x76: {  	s23 =	smov.u32 s26;
	[sflag:s17] =	ssyncset.done $0x0  }
0x77: {  	s23 =	sadd.s32 s22, s12;
	[sflag:s17] =	ssyncadd.s32 $0xFFFFC000  }
0x78: {  	[tilespmem:s3], [sflag:$0x2] =	stream.linear.gather [hbm4b:s23+s3], $0x80, $0x38;
	[tilespmem:$0x18100] =	vst v63  }
0x79: {  	_ =	swait.ge [sflag:s17], $0x80  }
0x7a: {  	[sflag:s17] =	ssyncset.done $0x0  }
0x7b: {  	s31 =	sadd.s32 s22, s11;
	[sflag:s17] =	ssyncadd.s32 $0xFFFFFF80  }
0x7c: {  	[tilespmem:s18], [sflag:$0x2] =	stream.linear.gather [hbm4b:s31+s3], $0x80, $0x38;
	[tilespmem:$0x18100] =	vst v63  }
0x7d: {  	_ =	swait.ge [sflag:s17], $0x80  }
0x7e: {  	[sflag:s17] =	ssyncset.done $0x0  }
0x7f: {  	[sflag:s17] =	ssyncadd.s32 $0xFFFFFF80  }
0x80: {  	[tilespmem:s19], [sflag:$0x1] =	stream.indirect.gather [hbm4b:s4+s18], $0x80, s3, s18, $0xb8;
	[tilespmem:$0x18100] =	vst v63  }
0x81: {  	_ =	swait.ge [sflag:s20], $0x4000  }
0x82: {  	[sflag:s20] =	ssyncset.done $0x0  }
.Ltmp6:
0x83: {  	[sflag:s20] =	ssyncadd.s32 $0xFFFFC000;
	(pc) =	sbr.rel .LBB2_8-.Ltmp6, $4  }
0x84: {  	[spmem:s2] =	stream.indirect.scatter.add.f32 [tilespmem:s19], [sflag:$0x2], $0x80, s18, s18, $0xb8;
	[tilespmem:$0x18100] =	vst v63  }
0x85: {  	_ =	swait.ge [sflag:s17], $0x4000  }
0x86: {  	[sflag:s17] =	ssyncset.done $0x0  }
0x87: {  	s22 =	smov.u32 s5;
	[sflag:s17] =	ssyncadd.s32 $0xFFFFC000  }
.LBB2_9:
0x88: {  	_ =	sfence.sel $0x180000  }
0x89: {  	[bflag:$0x0] =	sbarrier.arrive $0xFFFF  }
0x8a: {  	p0 =	sne.s32 s1, $0x0;
	_ =	strace $0x90000047  }
0x8b: {  	s0 =	sadd.s32 @!p0 $0x100000, s0;
	[bflag:$0x2] =	sbarrier.arrive $0xFFFF  }
0x8c: {  	[sflag:s0] =	ssyncadd.tile.s32 @!p0 $0x1;
	_ =	shalt  }
.Lfunc_end2:
_tile_overlayer_lowered:
.L_overlay_start_2:
0x8d: {  	(tag) =	ssettag $0x2  }
0x8e: {  	s0 =	rddreg [dreg:$0x0];
	s2 =	stileid.u32  }
0x8f: {  	s1 =	rddreg [dreg:$0x1];
	p0 =	sne.s32 s2, $0x0  }
0x90: {  	s3 =	rddreg [dreg:$0x2];
	[bflag:$0x3] =	sbarrier.arrive $0xFFFF;
	s2 =	simm.s32 @!p0 $0x1C02  }
0x91: {  	[timem:s3], [sflag:s2] =	dma.local @!p0 [hbm:s0], s1  }
0x92: {  	s0 =	simm.s32 @!p0 $0x2  }
0x93: {  	_ =	swait.ge @!p0 [sflag:s0], s1  }
0x94: {  	s1 =	ssub.s32 @!p0 $0x0, s1;
	[sflag:s0] =	ssyncset.done @!p0 $0x0  }
0x95: {  	[sflag:s0] =	ssyncadd.s32 @!p0 s1  }
0x96: {  	[bflag:$0x3] =	sbarrier.arrive $0xFFFF  }
0x97: {  	_ =	shalt  }

// kernel: kernel.15.cloned.1.call-start
scs
__scs_entry_jumppad:
0x0: {  	(pc) =	sbr.rel $0x88, $3  }
0x1: {  	(tag) =	ssettag $0x0;
	lr =	simm.s32 $0x1  }
0x2: {  	[smem:$0x3F96] =	sst lr;
	_ =	strace $0xD0000000  }
0x3: {  	_ = 	snop  }
0x4: {  	_ = 	snop  }
0x5: {  	_ = 	snop  }
0x6: {  	_ = 	snop  }
0x7: {  	_ = 	snop  }
__scs_overlays_trampoline_lowered:
0x8: {  	[smem:$0x3FA5] =	sst s0  }
0x9: {  	[smem:$0x3FA6] =	sst s1  }
0xa: {  	[smem:$0x3FA7] =	sst s2  }
0xb: {  	[smem:$0x3FA8] =	sst s3  }
0xc: {  	[smem:$0x3FA9] =	sst s4  }
0xd: {  	[smem:$0x3FAA] =	sst s5  }
0xe: {  	[smem:$0x3FAB] =	sst s6  }
0xf: {  	[smem:$0x3FAC] =	sst s7  }
0x10: {  	[smem:$0x3FAD] =	sst s8  }
0x11: {  	[smem:$0x3FAE] =	sst s9;
	s0 =	simm.s32 @!p0 $0x0  }
0x12: {  	s1 =	sld [smem:$0x3F94];
	s0 =	simm.s32 @p0 $0x1  }
0x13: {  	[smem:$0x3FAF] =	sst s0;
	s0 =	simm.s32 @!p1 $0x0  }
0x14: {  	s2 =	sld [smem:$0x3F93];
	s0 =	simm.s32 @p1 $0x1  }
0x15: {  	[smem:$0x3FB0] =	sst s0;
	s0 =	simm.s32 @!p2 $0x0  }
0x16: {  	s3 =	sld [smem:$0x3FDB];
	s0 =	simm.s32 @p2 $0x1  }
0x17: {  	s4 =	simm.s32 $0x1BF5;
	[smem:$0x3FB2] =	sst s0  }
0x18: {  	s0 =	sld [smem:$0x3F95];
	_ =	swait.ge [sflag:s4], $0x0  }
0x19: {  	s7 =	sld [smem:$0x3F96]  }
0x1a: {  	s8 =	sadd.s32 $0xFFFFE003, lr  }
0x1b: {  	s9 =	sadd.s32 $0xFFFFFEF7, lr;
	s5 =	simm.s32 $0xFFFFFFFF;
	p2 =	slt.u32 s8, $0xFFFFF086  }
0x1c: {  	p1 =	slt.u32 s9, $0xF7A;
	s5 =	simm.s32 @!p2 $0x0  }
0x1d: {  	s5 =	simm.s32 @p1 $0x1;
	p0 =	seq.s32 s7, s2  }
0x1e: {  	s7 =	smul.u32 @!p0 $0xF7A, s2;
	p2 =	seq.s32 @!p0 s5, $0x0  }
0x1f: {  	s9 =	smul.u32 $0xF7A, s1;
	s8 =	simm.s32 @!p0 $0x1BF5;
	p2 =	por !p2, p0  }
0x20: {  	[sflag:s8] =	ssyncset.s32 @!p0 $0xFFFFF086;
	s6 =	sadd.s32 @!p0 s3, s7;
	s7 =	simm.s32 @!p0 $0x108  }
0x21: {  	s3 =	sadd.s32 s3, s9;
	s6 =	sadd.s32 @!p0 $0x88, s6;
	s7 =	simm.s32 @p2 $0x1082  }
0x22: {  	[simem:s7], [sflag:s8] =	dma.local @!p0 [hbm:s6], $0xF7A  }
0x23: {  	s9 =	sor.u32 $0xD0000000, s2;
	s6 =	simm.s32 $0x108;
	_ =	swait.ge @!p0 [sflag:s8], $0x0  }
0x24: {  	s3 =	sadd.s32 $0x88, s3;
	s6 =	simm.s32 @!p1 $0x1082;
	[sflag:s4] =	ssyncset.s32 $0xFFFFF086  }
0x25: {  	[simem:s6], [sflag:s4] =	dma.local [hbm:s3], $0xF7A  }
0x26: {  	[smem:$0x3F96] =	sst s1;
	(tag) =	ssettag s2;
	_ =	strace s9  }
0x27: {  	s1 =	sld [smem:$0x3FA6]  }
0x28: {  	s2 =	sld [smem:$0x3FA7]  }
0x29: {  	s4 =	sld [smem:$0x3FA9]  }
0x2a: {  	p0 =	seq.s32 s5, $0x0;
	s5 =	sld [smem:$0x3FAA]  }
0x2b: {  	s6 =	sld [smem:$0x3FAB]  }
0x2c: {  	s7 =	sld [smem:$0x3FAC]  }
0x2d: {  	s3 =	simm.s32 $0x108;
	s8 =	sld [smem:$0x3FAD]  }
0x2e: {  	s3 =	simm.s32 @!p0 $0x1082;
	s9 =	sld [smem:$0x3FAE]  }
0x2f: {  	lr =	sadd.s32 s0, s3;
	s0 =	sld [smem:$0x3FA5]  }
0x30: {  	s3 =	sld [smem:$0x3FA8]  }
0x31: {  	[smem:$0x3FB1] =	sst s10  }
0x32: {  	s10 =	sld [smem:$0x3FAF];
	_ =	sdelay $0x3  }
0x33: {  	p0 =	seq.s32 s10, $0x1;
	s10 =	sld [smem:$0x3FB1];
	_ =	sdelay $0x3  }
0x34: {  	[smem:$0x3FB1] =	sst s10  }
0x35: {  	s10 =	sld [smem:$0x3FB0];
	_ =	sdelay $0x3  }
0x36: {  	p1 =	seq.s32 s10, $0x1;
	s10 =	sld [smem:$0x3FB1];
	_ =	sdelay $0x3  }
0x37: {  	[smem:$0x3FB1] =	sst s10  }
0x38: {  	s10 =	sld [smem:$0x3FB2]  }
0x39: {  	_ = 	snop;
	(pc) =	sbr.ind lr, $3  }
0x3a: {  	_ = 	snop  }
0x3b: {  	_ = 	snop  }
0x3c: {  	p2 =	seq.s32 s10, $0x1;
	s10 =	sld [smem:$0x3FB1]  }
0x3d: {  	_ =	shalt  }
0x3e: {  	_ =	shalt  }
0x3f: {  	_ =	shalt  }
0x40: {  	_ =	shalt  }
0x41: {  	_ =	shalt  }
0x42: {  	_ =	shalt  }
0x43: {  	_ =	shalt  }
0x44: {  	_ =	shalt  }
0x45: {  	_ =	shalt  }
0x46: {  	_ =	shalt  }
0x47: {  	_ =	shalt  }
0x48: {  	_ =	shalt  }
0x49: {  	_ =	shalt  }
0x4a: {  	_ =	shalt  }
0x4b: {  	_ =	shalt  }
0x4c: {  	_ =	shalt  }
0x4d: {  	_ =	shalt  }
0x4e: {  	_ =	shalt  }
0x4f: {  	_ =	shalt  }
0x50: {  	_ =	shalt  }
0x51: {  	_ =	shalt  }
0x52: {  	_ =	shalt  }
0x53: {  	_ =	shalt  }
0x54: {  	_ =	shalt  }
0x55: {  	_ =	shalt  }
0x56: {  	_ =	shalt  }
0x57: {  	_ =	shalt  }
0x58: {  	_ =	shalt  }
0x59: {  	_ =	shalt  }
0x5a: {  	_ =	shalt  }
0x5b: {  	_ =	shalt  }
0x5c: {  	_ =	shalt  }
0x5d: {  	_ =	shalt  }
0x5e: {  	_ =	shalt  }
0x5f: {  	_ =	shalt  }
0x60: {  	_ =	shalt  }
0x61: {  	_ =	shalt  }
0x62: {  	_ =	shalt  }
0x63: {  	_ =	shalt  }
0x64: {  	_ =	shalt  }
0x65: {  	_ =	shalt  }
0x66: {  	_ =	shalt  }
0x67: {  	_ =	shalt  }
0x68: {  	_ =	shalt  }
0x69: {  	_ =	shalt  }
0x6a: {  	_ =	shalt  }
0x6b: {  	_ =	shalt  }
0x6c: {  	_ =	shalt  }
0x6d: {  	_ =	shalt  }
0x6e: {  	_ =	shalt  }
0x6f: {  	_ =	shalt  }
0x70: {  	_ =	shalt  }
0x71: {  	_ =	shalt  }
0x72: {  	_ =	shalt  }
0x73: {  	_ =	shalt  }
0x74: {  	_ =	shalt  }
0x75: {  	_ =	shalt  }
0x76: {  	_ =	shalt  }
0x77: {  	_ =	shalt  }
0x78: {  	_ =	shalt  }
0x79: {  	_ =	shalt  }
0x7a: {  	_ =	shalt  }
0x7b: {  	_ =	shalt  }
0x7c: {  	_ =	shalt  }
0x7d: {  	_ =	shalt  }
0x7e: {  	_ =	shalt  }
0x7f: {  	_ =	shalt  }
0x80: {  	_ =	shalt  }
0x81: {  	_ =	shalt  }
0x82: {  	_ =	shalt  }
0x83: {  	_ =	shalt  }
0x84: {  	_ =	shalt  }
0x85: {  	_ =	shalt  }
0x86: {  	_ =	shalt  }
0x87: {  	_ =	shalt  }
.Lfunc_end0:
.L_simem_size_0:
called_computation.2_lowered:
.L_overlay_start_0:
0x88: {  	s2 =	sld [smem:$0x3FD9]  }
0x89: {  	s3 =	sld [smem:$0x3FFE];
	_ =	sdelay $0x1  }
0x8a: {  	s1 =	srdreg.scid  }
0x8b: {  	s0 =	sand.u32 $0x1, s1  }
0x8c: {  	s17 =	sshll.u32 s0, $0xA;
	s2 =	sadd.s32 s3, s2  }
0x8d: {  	s2 =	sadd.s32 s2, s17  }
0x8e: {  	[smem:$0x3FBD] =	sst s2  }
0x8f: {  	_ = 	snop  }
0x90: {  	s2 =	sld [smem:$0x3FD0];
	(tm) =	ssettm $0x1  }
0x91: {  	s18 =	sld [smem:$0x3FFB];
	_ =	sdelay $0x3  }
0x92: {  	_ =	strace s18  }
0x93: {  	s3 =	sld [smem:$0x3FFC];
	_ =	sdelay $0x3  }
0x94: {  	_ =	strace s3  }
0x95: {  	s3 =	sld [smem:$0x3FFD];
	_ =	sdelay $0x3  }
0x96: {  	_ =	strace s3  }
0x97: {  	_ =	strace $0x8FFFFFFF  }
0x98: {  	s19 =	sld [smem:$0x3FDB];
	_ =	sdelay $0x1  }
0x99: {  	s4 =	simm.s32 $_scs_section_size  }
0x9a: {  	s5 =	simm.s32 $_size__tile_overlayer_lowered;
	s6 =	simm.s32 $_tile_overlayer_lowered  }
0x9b: {  	s22 =	simm.s32 $0x1BFF;
	s21 =	sshll.u32 s6, $0x1;
	s3 =	sadd.s32 s4, s19  }
0x9c: {  	s7 =	simm.s32 $0x0;
	s20 =	sshll.u32 s5, $0x1;
	s5 =	sadd.s32 s21, s3  }
0x9d: {  	[timem:s7], [sflag:s22] =	dma.local [hbm:s5], s20  }
0x9e: {  	_ =	swait.ge [sflag:s22], s20  }
0x9f: {  	s4 =	ssub.s32 $0x0, s20;
	[sflag:s22] =	ssyncset.done $0x0  }
0xa0: {  	[sflag:s22] =	ssyncadd.s32 s4;
	_ =	sdelay $0x1  }
0xa1: {  	s23 =	simm.s32 $0x1B8B  }
0xa2: {  	_ =	swait.ge [sflag:s23], $0x1  }
0xa3: {  	[sflag:s23] =	ssyncset.done $0x0  }
0xa4: {  	s25 =	simm.s32 $0x1B8E;
	s24 =	sld [smem:$0x3FFE];
	[sflag:s23] =	ssyncadd.s32 $0xFFFFFFFF  }
0xa5: {  	s26 =	simm.s32 $execute0_lowered;
	[smem:$0x3FD2] =	sst s25  }
0xa6: {  	s5 =	sshll.u32 s26, $0x1;
	_ =	strace $0x8000004C;
	[dreg:$0x1] =	wrdreg $0xFFFFFFFF  }
0xa7: {  	s28 =	simm.s32 $_size_execute0_lowered;
	s3 =	sadd.s32 s3, s5;
	[dreg:$0x0] =	wrdreg $0x0  }
0xa8: {  	s5 =	sshll.u32 s28, $0x1;
	[dreg:$0x2] =	wrdreg s3  }
0xa9: {  	[dreg:$0x3] =	wrdreg s5  }
0xaa: {  	[dreg:$0x4] =	wrdreg $0xC0  }
0xab: {  	_ =	task [dreg:s7], $0x5FFFF  }
0xac: {  	[dreg:$0x1] =	wrdreg $0xFFFFFFFF  }
0xad: {  	[dreg:$0x0] =	wrdreg $0x60  }
0xae: {  	[dreg:$0x2] =	wrdreg s24  }
0xaf: {  	[dreg:$0x3] =	wrdreg s2  }
0xb0: {  	[dreg:$0x4] =	wrdreg $0x41000  }
0xb1: {  	[dreg:$0x5] =	wrdreg $0x9  }
0xb2: {  	_ =	task.clear_ibuf [dreg:s7], $0x6FFFF;
	_ =	strace $0x9000004C  }
0xb3: {  	s29 =	simm.s32 $0x9;
	_ =	strace $0x8000004E  }
0xb4: {  	_ =	swait.ge [sflag:s29], $0x1  }
0xb5: {  	[sflag:s29] =	ssyncadd.s32 $0xFFFFFFFF  }
0xb6: {  	_ =	strace $0x9000004E  }
0xb7: {  	_ =	sfence  }
0xb8: {  	s30 =	sld [smem:$0x0];
	_ =	sdelay $0x2  }
0xb9: {  	s31 =	sshll.u32 s1, $0xD;
	s1 =	sshrl.u32 s1, $0x2  }
0xba: {  	s3 =	sand.u32 $0x4000, s31;
	s1 =	sadd.s32 s1, s30  }
0xbb: {  	s0 =	sor.u32 s3, s0;
	s1 =	sshll.u32 s1, $0x11  }
0xbc: {  	s0 =	sor.u32 s1, s0  }
0xbd: {  	s0 =	sadd.s32 $0x8F2B, s0  }
0xbe: {  	[sflag:s0] =	ssyncadd.remote.s32 $0x1  }
0xbf: {  	_ =	sfence.sel $0xFFFF  }
0xc0: {  	[dreg:$0x0] =	wrdreg $0xFFFFFFFF;
	(pc) =	sbr.abs _section_cstart, $3  }
0xc1: {  	[dreg:$0x1] =	wrdreg $0xFFFFFFFF  }
0xc2: {  	_ =	task.clear_ibuf [dreg:s7], $0x2FFFF;
	_ =	strace $0x9FFFFFFF  }
0xc3: {  	(tm) =	ssettm $0x7FFFFFFF  }
tec
execute0_lowered:
.L_overlay_start_1:
0x0: {  	(tag) =	ssettag $0x1  }
0x1: {  	s6 =	rddreg [dreg:$0x0]  }
0x2: {  	s13 =	rddreg [dreg:$0x1]  }
0x3: {  	s2 =	rddreg [dreg:$0x2]  }
0x4: {  	s0 =	rddreg [dreg:$0x3];
	s3 =	simm.s32 $0x0  }
0x5: {  	s1 =	stileid.u32;
	s7 =	srdreg.scid;
	s17 =	simm.s32 $0x80  }
0x6: {  	s18 =	simm.s32 $0x100;
	s19 =	simm.s32 $0x1;
	s20 =	simm.s32 $0x0  }
0x7: {  	[smem:$0x7FF] =	sst s3;
	s14 =	smul.u32 $0x9D0, s1;
	s4 =	sadd.s32 $0xFD200, s6  }
0x8: {  	s5 =	sadd.s32 $0xCA00, s6;
	s8 =	sand.u32 $0x1, s7;
	s9 =	smul.u32 $0x50000, s1  }
0x9: {  	s10 =	sadd.s32 $0x34A00, s6;
	s15 =	smul.u32 $0x14000, s1;
	s31 =	sshll.u32 s1, $0x6  }
0xa: {  	_ =	strace $0x8000004D;
	s7 =	ssub.s32 $0x2, s8;
	p0 =	seq.s32 s8, $0x1  }
0xb: {  	s12 =	sadd.s32 s14, s6;
	s11 =	sshrl.u32 s7, $0x1;
	s6 =	sadd.s32 $0x125200, s6  }
.Ltmp0:
0xc: {  	s30 =	sshrl.u32 s9, $0x2;
	s15 =	sshrl.u32 s15, $0x3;
	(pc) =	sbr.rel .LBB2_1-.Ltmp0, $4  }
0xd: {  	s13 =	sadd.s32 s14, s13;
	s11 =	ssub.s32 s7, s11;
	s7 =	smul.u32 $0x2800, s1  }
0xe: {  	s14 =	sor.u32 $0x1C02, s31;
	s16 =	sadd.s32 s30, s2;
	s9 =	sadd.s32 s10, s15  }
0xf: {  	s12 =	sadd.s32 $0x2C00, s12;
	s11 =	smax.u32 s11, $0x1;
	s8 =	sadd.s32 s10, s7  }
0x10: {  	s10 =	sadd.s32 $0x28000, s15;
	s15 =	sshrl.u32 s16, $0x3;
	s16 =	simm.s32 $0x2  }
.LBB2_7:
0x11: {  	s22 =	sadd.s32 s21, s13;
	[sflag:s16] =	ssyncadd.s32 $0xFFFFC000  }
0x12: {  	[tilespmem:s3], [sflag:$0x2] =	stream.linear.gather [hbm4b:s22+s3], $0x80, $0x38;
	[tilespmem:$0x18100] =	vst v63  }
0x13: {  	_ =	swait.ge [sflag:s16], $0x80  }
0x14: {  	[sflag:s16] =	ssyncset.done $0x0  }
0x15: {  	s31 =	sadd.s32 s21, s12;
	[sflag:s16] =	ssyncadd.s32 $0xFFFFFF80  }
0x16: {  	[tilespmem:s17], [sflag:$0x2] =	stream.linear.gather [hbm4b:s31+s3], $0x80, $0x38;
	[tilespmem:$0x18100] =	vst v63  }
0x17: {  	_ =	swait.ge [sflag:s16], $0x80  }
0x18: {  	[sflag:s16] =	ssyncset.done $0x0  }
0x19: {  	[sflag:s16] =	ssyncadd.s32 $0xFFFFFF80  }
0x1a: {  	[tilespmem:s18], [sflag:$0x1] =	stream.indirect.gather [hbm4b:s5+s17], $0x80, s3, s17, $0xb8;
	[tilespmem:$0x18100] =	vst v63  }
0x1b: {  	_ =	swait.ge [sflag:s19], $0x4000  }
0x1c: {  	[sflag:s19] =	ssyncset.done $0x0  }
0x1d: {  	[sflag:s19] =	ssyncadd.s32 $0xFFFFC000  }
0x1e: {  	[spmem:s2] =	stream.indirect.scatter.add.f32 [tilespmem:s18], [sflag:$0x2], $0x80, s17, s17, $0xb8;
	[tilespmem:$0x18100] =	vst v63  }
0x1f: {  	_ =	swait.ge [sflag:s16], $0x4000  }
0x20: {  	[sflag:s16] =	ssyncset.done $0x0  }
0x21: {  	s21 =	smov.u32 s10;
	[sflag:s16] =	ssyncadd.s32 $0xFFFFC000  }
.LBB2_8:
0x22: {  	s20 =	sadd.s32 $0x1, s20  }
0x23: {  	p1 =	sne.s32 s20, s11  }
.Ltmp1:
0x24: {  	s21 =	sadd.s32 s6, s21;
	[bflag:$0x0] =	sbarrier.arrive $0xFFFF;
	(pc) =	sbr.rel @!p1 .LBB2_9-.Ltmp1, $4  }
0x25: {  	[hbm:s21], [sflag:s14] =	dma.local [spmem:s15], $0x2800  }
0x26: {  	_ =	swait.ge [sflag:s16], $0x2800  }
0x27: {  	[sflag:s16] =	ssyncset.done $0x0  }
0x28: {  	[sflag:s16] =	ssyncadd.s32 $0xFFFFD800  }
.LBB2_1:
.Ltmp2:
0x29: {  	(pc) =	sbr.rel @!p0 .LBB2_2-.Ltmp2, $1  }
0x2a: {  	_ =	sdelay $0x3  }
0x2b: {  	[spmem:s15], [sflag:s14] =	dma.local [hbm:s9], $0x2800  }
0x2c: {  	_ =	swait.ge [sflag:s16], $0x2800  }
0x2d: {  	[sflag:s16] =	ssyncset.done $0x0  }
0x2e: {  	[sflag:s16] =	ssyncadd.s32 $0xFFFFD800  }
0x2f: {  	s21 =	sadd.s32 $0x0, s13;
	[bflag:$0x0] =	sbarrier.arrive $0xFFFF  }
0x30: {  	[tilespmem:s3], [sflag:$0x2] =	stream.linear.gather [hbm4b:s21+s3], $0x80, $0x38;
	[tilespmem:$0x18100] =	vst v63  }
0x31: {  	_ =	swait.ge [sflag:s16], $0x80  }
0x32: {  	[sflag:s16] =	ssyncset.done $0x0  }
0x33: {  	s31 =	sadd.s32 $0x0, s12;
	[sflag:s16] =	ssyncadd.s32 $0xFFFFFF80  }
0x34: {  	[tilespmem:s17], [sflag:$0x2] =	stream.linear.gather [hbm4b:s31+s3], $0x80, $0x38;
	[tilespmem:$0x18100] =	vst v63  }
0x35: {  	_ =	swait.ge [sflag:s16], $0x80  }
0x36: {  	[sflag:s16] =	ssyncset.done $0x0  }
0x37: {  	[sflag:s16] =	ssyncadd.s32 $0xFFFFFF80  }
0x38: {  	[tilespmem:s18], [sflag:$0x1] =	stream.indirect.gather [hbm4b:s5+s17], $0x80, s3, s17, $0xb8;
	[tilespmem:$0x18100] =	vst v63  }
0x39: {  	_ =	swait.ge [sflag:s19], $0x4000  }
0x3a: {  	[sflag:s19] =	ssyncset.done $0x0  }
0x3b: {  	[sflag:s19] =	ssyncadd.s32 $0xFFFFC000  }
0x3c: {  	[spmem:s2] =	stream.indirect.scatter.add.f32 [tilespmem:s18], [sflag:$0x2], $0x80, s17, s17, $0xb8;
	[tilespmem:$0x18100] =	vst v63  }
0x3d: {  	_ =	swait.ge [sflag:s16], $0x4000  }
0x3e: {  	s22 =	simm.s32 $0x20;
	s21 =	simm.s32 $0x10;
	[sflag:s16] =	ssyncset.done $0x0  }
.LBB2_6:
0x3f: {  	s23 =	sadd.s32 s21, s13  }
0x40: {  	[sflag:s16] =	ssyncadd.s32 $0xFFFFC000;
	s24 =	smov.u32 s22;
	s25 =	sadd.s32 $0x10, s22  }
0x41: {  	[tilespmem:s3], [sflag:$0x2] =	stream.linear.gather [hbm4b:s23+s3], $0x80, $0x38;
	[tilespmem:$0x18100] =	vst v63  }
0x42: {  	p1 =	sne.s32 s22, $0x9C0;
	_ =	swait.ge [sflag:s16], $0x80  }
0x43: {  	[sflag:s16] =	ssyncset.done $0x0  }
0x44: {  	s22 =	sadd.s32 s21, s12;
	s21 =	smov.u32 s24;
	[sflag:s16] =	ssyncadd.s32 $0xFFFFFF80  }
0x45: {  	[tilespmem:s17], [sflag:$0x2] =	stream.linear.gather [hbm4b:s22+s3], $0x80, $0x38;
	[tilespmem:$0x18100] =	vst v63  }
0x46: {  	_ =	swait.ge [sflag:s16], $0x80  }
0x47: {  	[sflag:s16] =	ssyncset.done $0x0  }
0x48: {  	[sflag:s16] =	ssyncadd.s32 $0xFFFFFF80  }
0x49: {  	[tilespmem:s18], [sflag:$0x1] =	stream.indirect.gather [hbm4b:s5+s17], $0x80, s3, s17, $0xb8;
	[tilespmem:$0x18100] =	vst v63  }
0x4a: {  	_ =	swait.ge [sflag:s19], $0x4000  }
.Ltmp3:
0x4b: {  	[sflag:s19] =	ssyncset.done $0x0;
	(pc) =	sbr.rel @p1 .LBB2_6-.Ltmp3, $4  }
0x4c: {  	[sflag:s19] =	ssyncadd.s32 $0xFFFFC000  }
0x4d: {  	[spmem:s2] =	stream.indirect.scatter.add.f32 [tilespmem:s18], [sflag:$0x2], $0x80, s17, s17, $0xb8;
	[tilespmem:$0x18100] =	vst v63  }
0x4e: {  	_ =	swait.ge [sflag:s16], $0x4000  }
0x4f: {  	s22 =	smov.u32 s25;
	[sflag:s16] =	ssyncset.done $0x0  }
.Ltmp4:
0x50: {  	_ = 	snop;
	(pc) =	sbr.rel .LBB2_7-.Ltmp4, $1  }
0x51: {  	_ =	sdelay $0x3  }
.LBB2_2:
0x52: {  	[spmem:s15], [sflag:s14] =	dma.local [hbm:s8], $0x2800  }
0x53: {  	_ =	swait.ge [sflag:s16], $0x2800  }
0x54: {  	[sflag:s16] =	ssyncset.done $0x0  }
0x55: {  	[sflag:s16] =	ssyncadd.s32 $0xFFFFD800  }
0x56: {  	s21 =	sadd.s32 $0x0, s13;
	[bflag:$0x0] =	sbarrier.arrive $0xFFFF  }
0x57: {  	[tilespmem:s3], [sflag:$0x2] =	stream.linear.gather [hbm4b:s21+s3], $0x80, $0x38;
	[tilespmem:$0x18100] =	vst v63  }
0x58: {  	_ =	swait.ge [sflag:s16], $0x80  }
0x59: {  	[sflag:s16] =	ssyncset.done $0x0  }
0x5a: {  	s31 =	sadd.s32 $0x0, s12;
	[sflag:s16] =	ssyncadd.s32 $0xFFFFFF80  }
0x5b: {  	[tilespmem:s17], [sflag:$0x2] =	stream.linear.gather [hbm4b:s31+s3], $0x80, $0x38;
	[tilespmem:$0x18100] =	vst v63  }
0x5c: {  	_ =	swait.ge [sflag:s16], $0x80  }
0x5d: {  	[sflag:s16] =	ssyncset.done $0x0  }
0x5e: {  	[sflag:s16] =	ssyncadd.s32 $0xFFFFFF80  }
0x5f: {  	[tilespmem:s18], [sflag:$0x1] =	stream.indirect.gather [hbm4b:s4+s17], $0x80, s3, s17, $0xb8;
	[tilespmem:$0x18100] =	vst v63  }
0x60: {  	_ =	swait.ge [sflag:s19], $0x4000  }
0x61: {  	[sflag:s19] =	ssyncset.done $0x0  }
0x62: {  	[sflag:s19] =	ssyncadd.s32 $0xFFFFC000  }
0x63: {  	[spmem:s2] =	stream.indirect.scatter.add.f32 [tilespmem:s18], [sflag:$0x2], $0x80, s17, s17, $0xb8;
	[tilespmem:$0x18100] =	vst v63  }
0x64: {  	_ =	swait.ge [sflag:s16], $0x4000  }
0x65: {  	s22 =	simm.s32 $0x20;
	s21 =	simm.s32 $0x10;
	[sflag:s16] =	ssyncset.done $0x0  }
.LBB2_3:
0x66: {  	s23 =	sadd.s32 s21, s13  }
0x67: {  	[sflag:s16] =	ssyncadd.s32 $0xFFFFC000;
	s24 =	smov.u32 s22;
	s25 =	sadd.s32 $0x10, s22  }
0x68: {  	[tilespmem:s3], [sflag:$0x2] =	stream.linear.gather [hbm4b:s23+s3], $0x80, $0x38;
	[tilespmem:$0x18100] =	vst v63  }
0x69: {  	p1 =	seq.s32 s22, $0x9C0;
	_ =	swait.ge [sflag:s16], $0x80  }
0x6a: {  	[sflag:s16] =	ssyncset.done $0x0  }
0x6b: {  	s22 =	sadd.s32 s21, s12;
	s21 =	smov.u32 s24;
	[sflag:s16] =	ssyncadd.s32 $0xFFFFFF80  }
0x6c: {  	[tilespmem:s17], [sflag:$0x2] =	stream.linear.gather [hbm4b:s22+s3], $0x80, $0x38;
	[tilespmem:$0x18100] =	vst v63  }
0x6d: {  	_ =	swait.ge [sflag:s16], $0x80  }
0x6e: {  	[sflag:s16] =	ssyncset.done $0x0  }
0x6f: {  	[sflag:s16] =	ssyncadd.s32 $0xFFFFFF80  }
0x70: {  	[tilespmem:s18], [sflag:$0x1] =	stream.indirect.gather [hbm4b:s4+s17], $0x80, s3, s17, $0xb8;
	[tilespmem:$0x18100] =	vst v63  }
0x71: {  	_ =	swait.ge [sflag:s19], $0x4000  }
.Ltmp5:
0x72: {  	[sflag:s19] =	ssyncset.done $0x0;
	(pc) =	sbr.rel @!p1 .LBB2_3-.Ltmp5, $4  }
0x73: {  	[sflag:s19] =	ssyncadd.s32 $0xFFFFC000  }
0x74: {  	[spmem:s2] =	stream.indirect.scatter.add.f32 [tilespmem:s18], [sflag:$0x2], $0x80, s17, s17, $0xb8;
	[tilespmem:$0x18100] =	vst v63  }
0x75: {  	_ =	swait.ge [sflag:s16], $0x4000  }
0x76: {  	s22 =	smov.u32 s25;
	[sflag:s16] =	ssyncset.done $0x0  }
0x77: {  	s22 =	sadd.s32 s21, s13;
	[sflag:s16] =	ssyncadd.s32 $0xFFFFC000  }
0x78: {  	[tilespmem:s3], [sflag:$0x2] =	stream.linear.gather [hbm4b:s22+s3], $0x80, $0x38;
	[tilespmem:$0x18100] =	vst v63  }
0x79: {  	_ =	swait.ge [sflag:s16], $0x80  }
0x7a: {  	[sflag:s16] =	ssyncset.done $0x0  }
0x7b: {  	s31 =	sadd.s32 s21, s12;
	[sflag:s16] =	ssyncadd.s32 $0xFFFFFF80  }
0x7c: {  	[tilespmem:s17], [sflag:$0x2] =	stream.linear.gather [hbm4b:s31+s3], $0x80, $0x38;
	[tilespmem:$0x18100] =	vst v63  }
0x7d: {  	_ =	swait.ge [sflag:s16], $0x80  }
0x7e: {  	[sflag:s16] =	ssyncset.done $0x0  }
0x7f: {  	[sflag:s16] =	ssyncadd.s32 $0xFFFFFF80  }
0x80: {  	[tilespmem:s18], [sflag:$0x1] =	stream.indirect.gather [hbm4b:s4+s17], $0x80, s3, s17, $0xb8;
	[tilespmem:$0x18100] =	vst v63  }
0x81: {  	_ =	swait.ge [sflag:s19], $0x4000  }
0x82: {  	[sflag:s19] =	ssyncset.done $0x0  }
.Ltmp6:
0x83: {  	[sflag:s19] =	ssyncadd.s32 $0xFFFFC000;
	(pc) =	sbr.rel .LBB2_8-.Ltmp6, $4  }
0x84: {  	[spmem:s2] =	stream.indirect.scatter.add.f32 [tilespmem:s18], [sflag:$0x2], $0x80, s17, s17, $0xb8;
	[tilespmem:$0x18100] =	vst v63  }
0x85: {  	_ =	swait.ge [sflag:s16], $0x4000  }
0x86: {  	[sflag:s16] =	ssyncset.done $0x0  }
0x87: {  	s21 =	smov.u32 s7;
	[sflag:s16] =	ssyncadd.s32 $0xFFFFC000  }
.LBB2_9:
0x88: {  	_ =	sfence.sel $0x180000  }
0x89: {  	[bflag:$0x0] =	sbarrier.arrive $0xFFFF  }
0x8a: {  	p0 =	sne.s32 s1, $0x0;
	_ =	strace $0x9000004D  }
0x8b: {  	s0 =	sadd.s32 @!p0 $0x100000, s0;
	[bflag:$0x2] =	sbarrier.arrive $0xFFFF  }
0x8c: {  	[sflag:s0] =	ssyncadd.tile.s32 @!p0 $0x1;
	_ =	shalt  }
.Lfunc_end2:
_tile_overlayer_lowered:
.L_overlay_start_2:
0x8d: {  	(tag) =	ssettag $0x2  }
0x8e: {  	s0 =	rddreg [dreg:$0x0];
	s2 =	stileid.u32  }
0x8f: {  	s1 =	rddreg [dreg:$0x1];
	p0 =	sne.s32 s2, $0x0  }
0x90: {  	s3 =	rddreg [dreg:$0x2];
	[bflag:$0x3] =	sbarrier.arrive $0xFFFF;
	s2 =	simm.s32 @!p0 $0x1C02  }
0x91: {  	[timem:s3], [sflag:s2] =	dma.local @!p0 [hbm:s0], s1  }
0x92: {  	s0 =	simm.s32 @!p0 $0x2  }
0x93: {  	_ =	swait.ge @!p0 [sflag:s0], s1  }
0x94: {  	s1 =	ssub.s32 @!p0 $0x0, s1;
	[sflag:s0] =	ssyncset.done @!p0 $0x0  }
0x95: {  	[sflag:s0] =	ssyncadd.s32 @!p0 s1  }
0x96: {  	[bflag:$0x3] =	sbarrier.arrive $0xFFFF  }
0x97: {  	_ =	shalt  }

// kernel: kernel.18.cloned.1.call-start
scs
__scs_entry_jumppad:
0x0: {  	(pc) =	sbr.rel $0x88, $3  }
0x1: {  	(tag) =	ssettag $0x0;
	lr =	simm.s32 $0x1  }
0x2: {  	[smem:$0x3F96] =	sst lr;
	_ =	strace $0xD0000000  }
0x3: {  	_ = 	snop  }
0x4: {  	_ = 	snop  }
0x5: {  	_ = 	snop  }
0x6: {  	_ = 	snop  }
0x7: {  	_ = 	snop  }
__scs_overlays_trampoline_lowered:
0x8: {  	[smem:$0x3FA5] =	sst s0  }
0x9: {  	[smem:$0x3FA6] =	sst s1  }
0xa: {  	[smem:$0x3FA7] =	sst s2  }
0xb: {  	[smem:$0x3FA8] =	sst s3  }
0xc: {  	[smem:$0x3FA9] =	sst s4  }
0xd: {  	[smem:$0x3FAA] =	sst s5  }
0xe: {  	[smem:$0x3FAB] =	sst s6  }
0xf: {  	[smem:$0x3FAC] =	sst s7  }
0x10: {  	[smem:$0x3FAD] =	sst s8  }
0x11: {  	[smem:$0x3FAE] =	sst s9;
	s0 =	simm.s32 @!p0 $0x0  }
0x12: {  	s1 =	sld [smem:$0x3F94];
	s0 =	simm.s32 @p0 $0x1  }
0x13: {  	[smem:$0x3FAF] =	sst s0;
	s0 =	simm.s32 @!p1 $0x0  }
0x14: {  	s2 =	sld [smem:$0x3F93];
	s0 =	simm.s32 @p1 $0x1  }
0x15: {  	[smem:$0x3FB0] =	sst s0;
	s0 =	simm.s32 @!p2 $0x0  }
0x16: {  	s3 =	sld [smem:$0x3FDB];
	s0 =	simm.s32 @p2 $0x1  }
0x17: {  	s4 =	simm.s32 $0x1BF5;
	[smem:$0x3FB2] =	sst s0  }
0x18: {  	s0 =	sld [smem:$0x3F95];
	_ =	swait.ge [sflag:s4], $0x0  }
0x19: {  	s7 =	sld [smem:$0x3F96]  }
0x1a: {  	s8 =	sadd.s32 $0xFFFFE003, lr  }
0x1b: {  	s9 =	sadd.s32 $0xFFFFFEF7, lr;
	s5 =	simm.s32 $0xFFFFFFFF;
	p2 =	slt.u32 s8, $0xFFFFF086  }
0x1c: {  	p1 =	slt.u32 s9, $0xF7A;
	s5 =	simm.s32 @!p2 $0x0  }
0x1d: {  	s5 =	simm.s32 @p1 $0x1;
	p0 =	seq.s32 s7, s2  }
0x1e: {  	s7 =	smul.u32 @!p0 $0xF7A, s2;
	p2 =	seq.s32 @!p0 s5, $0x0  }
0x1f: {  	s9 =	smul.u32 $0xF7A, s1;
	s8 =	simm.s32 @!p0 $0x1BF5;
	p2 =	por !p2, p0  }
0x20: {  	[sflag:s8] =	ssyncset.s32 @!p0 $0xFFFFF086;
	s6 =	sadd.s32 @!p0 s3, s7;
	s7 =	simm.s32 @!p0 $0x108  }
0x21: {  	s3 =	sadd.s32 s3, s9;
	s6 =	sadd.s32 @!p0 $0x88, s6;
	s7 =	simm.s32 @p2 $0x1082  }
0x22: {  	[simem:s7], [sflag:s8] =	dma.local @!p0 [hbm:s6], $0xF7A  }
0x23: {  	s9 =	sor.u32 $0xD0000000, s2;
	s6 =	simm.s32 $0x108;
	_ =	swait.ge @!p0 [sflag:s8], $0x0  }
0x24: {  	s3 =	sadd.s32 $0x88, s3;
	s6 =	simm.s32 @!p1 $0x1082;
	[sflag:s4] =	ssyncset.s32 $0xFFFFF086  }
0x25: {  	[simem:s6], [sflag:s4] =	dma.local [hbm:s3], $0xF7A  }
0x26: {  	[smem:$0x3F96] =	sst s1;
	(tag) =	ssettag s2;
	_ =	strace s9  }
0x27: {  	s1 =	sld [smem:$0x3FA6]  }
0x28: {  	s2 =	sld [smem:$0x3FA7]  }
0x29: {  	s4 =	sld [smem:$0x3FA9]  }
0x2a: {  	p0 =	seq.s32 s5, $0x0;
	s5 =	sld [smem:$0x3FAA]  }
0x2b: {  	s6 =	sld [smem:$0x3FAB]  }
0x2c: {  	s7 =	sld [smem:$0x3FAC]  }
0x2d: {  	s3 =	simm.s32 $0x108;
	s8 =	sld [smem:$0x3FAD]  }
0x2e: {  	s3 =	simm.s32 @!p0 $0x1082;
	s9 =	sld [smem:$0x3FAE]  }
0x2f: {  	lr =	sadd.s32 s0, s3;
	s0 =	sld [smem:$0x3FA5]  }
0x30: {  	s3 =	sld [smem:$0x3FA8]  }
0x31: {  	[smem:$0x3FB1] =	sst s10  }
0x32: {  	s10 =	sld [smem:$0x3FAF];
	_ =	sdelay $0x3  }
0x33: {  	p0 =	seq.s32 s10, $0x1;
	s10 =	sld [smem:$0x3FB1];
	_ =	sdelay $0x3  }
0x34: {  	[smem:$0x3FB1] =	sst s10  }
0x35: {  	s10 =	sld [smem:$0x3FB0];
	_ =	sdelay $0x3  }
0x36: {  	p1 =	seq.s32 s10, $0x1;
	s10 =	sld [smem:$0x3FB1];
	_ =	sdelay $0x3  }
0x37: {  	[smem:$0x3FB1] =	sst s10  }
0x38: {  	s10 =	sld [smem:$0x3FB2]  }
0x39: {  	_ = 	snop;
	(pc) =	sbr.ind lr, $3  }
0x3a: {  	_ = 	snop  }
0x3b: {  	_ = 	snop  }
0x3c: {  	p2 =	seq.s32 s10, $0x1;
	s10 =	sld [smem:$0x3FB1]  }
0x3d: {  	_ =	shalt  }
0x3e: {  	_ =	shalt  }
0x3f: {  	_ =	shalt  }
0x40: {  	_ =	shalt  }
0x41: {  	_ =	shalt  }
0x42: {  	_ =	shalt  }
0x43: {  	_ =	shalt  }
0x44: {  	_ =	shalt  }
0x45: {  	_ =	shalt  }
0x46: {  	_ =	shalt  }
0x47: {  	_ =	shalt  }
0x48: {  	_ =	shalt  }
0x49: {  	_ =	shalt  }
0x4a: {  	_ =	shalt  }
0x4b: {  	_ =	shalt  }
0x4c: {  	_ =	shalt  }
0x4d: {  	_ =	shalt  }
0x4e: {  	_ =	shalt  }
0x4f: {  	_ =	shalt  }
0x50: {  	_ =	shalt  }
0x51: {  	_ =	shalt  }
0x52: {  	_ =	shalt  }
0x53: {  	_ =	shalt  }
0x54: {  	_ =	shalt  }
0x55: {  	_ =	shalt  }
0x56: {  	_ =	shalt  }
0x57: {  	_ =	shalt  }
0x58: {  	_ =	shalt  }
0x59: {  	_ =	shalt  }
0x5a: {  	_ =	shalt  }
0x5b: {  	_ =	shalt  }
0x5c: {  	_ =	shalt  }
0x5d: {  	_ =	shalt  }
0x5e: {  	_ =	shalt  }
0x5f: {  	_ =	shalt  }
0x60: {  	_ =	shalt  }
0x61: {  	_ =	shalt  }
0x62: {  	_ =	shalt  }
0x63: {  	_ =	shalt  }
0x64: {  	_ =	shalt  }
0x65: {  	_ =	shalt  }
0x66: {  	_ =	shalt  }
0x67: {  	_ =	shalt  }
0x68: {  	_ =	shalt  }
0x69: {  	_ =	shalt  }
0x6a: {  	_ =	shalt  }
0x6b: {  	_ =	shalt  }
0x6c: {  	_ =	shalt  }
0x6d: {  	_ =	shalt  }
0x6e: {  	_ =	shalt  }
0x6f: {  	_ =	shalt  }
0x70: {  	_ =	shalt  }
0x71: {  	_ =	shalt  }
0x72: {  	_ =	shalt  }
0x73: {  	_ =	shalt  }
0x74: {  	_ =	shalt  }
0x75: {  	_ =	shalt  }
0x76: {  	_ =	shalt  }
0x77: {  	_ =	shalt  }
0x78: {  	_ =	shalt  }
0x79: {  	_ =	shalt  }
0x7a: {  	_ =	shalt  }
0x7b: {  	_ =	shalt  }
0x7c: {  	_ =	shalt  }
0x7d: {  	_ =	shalt  }
0x7e: {  	_ =	shalt  }
0x7f: {  	_ =	shalt  }
0x80: {  	_ =	shalt  }
0x81: {  	_ =	shalt  }
0x82: {  	_ =	shalt  }
0x83: {  	_ =	shalt  }
0x84: {  	_ =	shalt  }
0x85: {  	_ =	shalt  }
0x86: {  	_ =	shalt  }
0x87: {  	_ =	shalt  }
.Lfunc_end0:
.L_simem_size_0:
called_computation.3_lowered:
.L_overlay_start_0:
0x88: {  	s2 =	sld [smem:$0x3FD9]  }
0x89: {  	s3 =	sld [smem:$0x3FFE];
	_ =	sdelay $0x1  }
0x8a: {  	s1 =	srdreg.scid  }
0x8b: {  	s0 =	sand.u32 $0x1, s1  }
0x8c: {  	s17 =	sshll.u32 s0, $0xA;
	s2 =	sadd.s32 s3, s2  }
0x8d: {  	s2 =	sadd.s32 s2, s17  }
0x8e: {  	[smem:$0x3FBD] =	sst s2  }
0x8f: {  	_ = 	snop  }
0x90: {  	s2 =	sld [smem:$0x3FD0];
	(tm) =	ssettm $0x1  }
0x91: {  	s18 =	sld [smem:$0x3FFB];
	_ =	sdelay $0x3  }
0x92: {  	_ =	strace s18  }
0x93: {  	s3 =	sld [smem:$0x3FFC];
	_ =	sdelay $0x3  }
0x94: {  	_ =	strace s3  }
0x95: {  	s3 =	sld [smem:$0x3FFD];
	_ =	sdelay $0x3  }
0x96: {  	_ =	strace s3  }
0x97: {  	_ =	strace $0x8FFFFFFF  }
0x98: {  	s19 =	sld [smem:$0x3FDB];
	_ =	sdelay $0x1  }
0x99: {  	s4 =	simm.s32 $_scs_section_size  }
0x9a: {  	s5 =	simm.s32 $_size__tile_overlayer_lowered;
	s6 =	simm.s32 $_tile_overlayer_lowered  }
0x9b: {  	s22 =	simm.s32 $0x1BFF;
	s21 =	sshll.u32 s6, $0x1;
	s3 =	sadd.s32 s4, s19  }
0x9c: {  	s7 =	simm.s32 $0x0;
	s20 =	sshll.u32 s5, $0x1;
	s5 =	sadd.s32 s21, s3  }
0x9d: {  	[timem:s7], [sflag:s22] =	dma.local [hbm:s5], s20  }
0x9e: {  	_ =	swait.ge [sflag:s22], s20  }
0x9f: {  	s4 =	ssub.s32 $0x0, s20;
	[sflag:s22] =	ssyncset.done $0x0  }
0xa0: {  	[sflag:s22] =	ssyncadd.s32 s4;
	_ =	sdelay $0x1  }
0xa1: {  	s23 =	simm.s32 $0x1B8B  }
0xa2: {  	_ =	swait.ge [sflag:s23], $0x1  }
0xa3: {  	[sflag:s23] =	ssyncset.done $0x0  }
0xa4: {  	s25 =	simm.s32 $0x1B8E;
	s24 =	sld [smem:$0x3FFE];
	[sflag:s23] =	ssyncadd.s32 $0xFFFFFFFF  }
0xa5: {  	s26 =	simm.s32 $execute0_lowered;
	[smem:$0x3FD2] =	sst s25  }
0xa6: {  	s5 =	sshll.u32 s26, $0x1;
	_ =	strace $0x8000004F;
	[dreg:$0x1] =	wrdreg $0xFFFFFFFF  }
0xa7: {  	s28 =	simm.s32 $_size_execute0_lowered;
	s3 =	sadd.s32 s3, s5;
	[dreg:$0x0] =	wrdreg $0x0  }
0xa8: {  	s5 =	sshll.u32 s28, $0x1;
	[dreg:$0x2] =	wrdreg s3  }
0xa9: {  	[dreg:$0x3] =	wrdreg s5  }
0xaa: {  	[dreg:$0x4] =	wrdreg $0xC0  }
0xab: {  	_ =	task [dreg:s7], $0x5FFFF  }
0xac: {  	[dreg:$0x1] =	wrdreg $0xFFFFFFFF  }
0xad: {  	[dreg:$0x0] =	wrdreg $0x60  }
0xae: {  	[dreg:$0x2] =	wrdreg s24  }
0xaf: {  	[dreg:$0x3] =	wrdreg s2  }
0xb0: {  	[dreg:$0x4] =	wrdreg $0x41000  }
0xb1: {  	[dreg:$0x5] =	wrdreg $0x9  }
0xb2: {  	_ =	task.clear_ibuf [dreg:s7], $0x6FFFF;
	_ =	strace $0x9000004F  }
0xb3: {  	s29 =	simm.s32 $0x9;
	_ =	strace $0x80000051  }
0xb4: {  	_ =	swait.ge [sflag:s29], $0x1  }
0xb5: {  	[sflag:s29] =	ssyncadd.s32 $0xFFFFFFFF  }
0xb6: {  	_ =	strace $0x90000051  }
0xb7: {  	_ =	sfence  }
0xb8: {  	s30 =	sld [smem:$0x0];
	_ =	sdelay $0x2  }
0xb9: {  	s31 =	sshll.u32 s1, $0xD;
	s1 =	sshrl.u32 s1, $0x2  }
0xba: {  	s3 =	sand.u32 $0x4000, s31;
	s1 =	sadd.s32 s1, s30  }
0xbb: {  	s0 =	sor.u32 s3, s0;
	s1 =	sshll.u32 s1, $0x11  }
0xbc: {  	s0 =	sor.u32 s1, s0  }
0xbd: {  	s0 =	sadd.s32 $0x8F2B, s0  }
0xbe: {  	[sflag:s0] =	ssyncadd.remote.s32 $0x1  }
0xbf: {  	_ =	sfence.sel $0xFFFF  }
0xc0: {  	[dreg:$0x0] =	wrdreg $0xFFFFFFFF;
	(pc) =	sbr.abs _section_cstart, $3  }
0xc1: {  	[dreg:$0x1] =	wrdreg $0xFFFFFFFF  }
0xc2: {  	_ =	task.clear_ibuf [dreg:s7], $0x2FFFF;
	_ =	strace $0x9FFFFFFF  }
0xc3: {  	(tm) =	ssettm $0x7FFFFFFF  }
tec
execute0_lowered:
.L_overlay_start_1:
0x0: {  	(tag) =	ssettag $0x1  }
0x1: {  	s6 =	rddreg [dreg:$0x0]  }
0x2: {  	s12 =	rddreg [dreg:$0x1]  }
0x3: {  	s2 =	rddreg [dreg:$0x2]  }
0x4: {  	s0 =	rddreg [dreg:$0x3];
	s3 =	simm.s32 $0x0;
	s1 =	stileid.u32  }
0x5: {  	s5 =	srdreg.scid;
	s17 =	simm.s32 $0x2;
	s18 =	simm.s32 $0x80  }
0x6: {  	s19 =	simm.s32 $0x100;
	s20 =	simm.s32 $0x1;
	s13 =	smul.u32 $0x9E0, s1  }
0x7: {  	s21 =	simm.s32 $0x0;
	[smem:$0x7FF] =	sst s3;
	s8 =	smul.u32 $0x50000, s1  }
0x8: {  	s4 =	sadd.s32 $0xCA00, s6;
	s7 =	sand.u32 $0x1, s5;
	s5 =	smul.u32 $0x2800, s1  }
0x9: {  	s9 =	sadd.s32 $0x34A00, s6;
	s15 =	smul.u32 $0x14000, s1;
	s31 =	sshll.u32 s1, $0x6  }
0xa: {  	_ =	strace $0x80000050;
	s10 =	ssub.s32 $0x2, s7;
	p0 =	seq.s32 s7, $0x1  }
0xb: {  	s14 =	sadd.s32 s13, s6;
	s6 =	sadd.s32 $0x5CA00, s6;
	s11 =	sshrl.u32 s10, $0x1  }
.Ltmp0:
0xc: {  	s29 =	sshrl.u32 s8, $0x2;
	s7 =	sadd.s32 s9, s5;
	(pc) =	sbr.rel .LBB2_1-.Ltmp0, $4  }
0xd: {  	s30 =	sshrl.u32 s15, $0x3;
	s12 =	sadd.s32 s13, s12;
	s15 =	sor.u32 $0x1C02, s31  }
0xe: {  	s10 =	ssub.s32 s10, s11;
	s16 =	sadd.s32 s29, s2;
	s8 =	sadd.s32 s9, s30  }
0xf: {  	s9 =	sadd.s32 $0x28000, s30;
	s11 =	sadd.s32 $0x2C00, s14;
	s13 =	sadd.s32 $0x30F0, s14  }
0x10: {  	s14 =	sadd.s32 $0x4F0, s12;
	s10 =	smax.u32 s10, $0x1;
	s16 =	sshrl.u32 s16, $0x3  }
.LBB2_7:
0x11: {  	s23 =	sadd.s32 s22, s14;
	[sflag:s17] =	ssyncadd.s32 $0xFFFFC000  }
0x12: {  	[tilespmem:s3], [sflag:$0x2] =	stream.linear.gather [hbm4b:s23+s3], $0x80, $0x38;
	[tilespmem:$0x18100] =	vst v63  }
0x13: {  	_ =	swait.ge [sflag:s17], $0x80  }
0x14: {  	[sflag:s17] =	ssyncset.done $0x0  }
0x15: {  	s31 =	sadd.s32 s22, s13;
	[sflag:s17] =	ssyncadd.s32 $0xFFFFFF80  }
0x16: {  	[tilespmem:s18], [sflag:$0x2] =	stream.linear.gather [hbm4b:s31+s3], $0x80, $0x38;
	[tilespmem:$0x18100] =	vst v63  }
0x17: {  	_ =	swait.ge [sflag:s17], $0x80  }
0x18: {  	[sflag:s17] =	ssyncset.done $0x0  }
0x19: {  	[sflag:s17] =	ssyncadd.s32 $0xFFFFFF80  }
0x1a: {  	[tilespmem:s19], [sflag:$0x1] =	stream.indirect.gather [hbm4b:s4+s18], $0x80, s3, s18, $0xb8;
	[tilespmem:$0x18100] =	vst v63  }
0x1b: {  	_ =	swait.ge [sflag:s20], $0x4000  }
0x1c: {  	[sflag:s20] =	ssyncset.done $0x0  }
0x1d: {  	[sflag:s20] =	ssyncadd.s32 $0xFFFFC000  }
0x1e: {  	[spmem:s2] =	stream.indirect.scatter.add.f32 [tilespmem:s19], [sflag:$0x2], $0x80, s18, s18, $0xb8;
	[tilespmem:$0x18100] =	vst v63  }
0x1f: {  	_ =	swait.ge [sflag:s17], $0x4000  }
0x20: {  	[sflag:s17] =	ssyncset.done $0x0  }
0x21: {  	s22 =	smov.u32 s9;
	[sflag:s17] =	ssyncadd.s32 $0xFFFFC000  }
.LBB2_8:
0x22: {  	s21 =	sadd.s32 $0x1, s21  }
0x23: {  	p1 =	sne.s32 s21, s10  }
.Ltmp1:
0x24: {  	s22 =	sadd.s32 s6, s22;
	[bflag:$0x0] =	sbarrier.arrive $0xFFFF;
	(pc) =	sbr.rel @!p1 .LBB2_9-.Ltmp1, $4  }
0x25: {  	[hbm:s22], [sflag:s15] =	dma.local [spmem:s16], $0x2800  }
0x26: {  	_ =	swait.ge [sflag:s17], $0x2800  }
0x27: {  	[sflag:s17] =	ssyncset.done $0x0  }
0x28: {  	[sflag:s17] =	ssyncadd.s32 $0xFFFFD800  }
.LBB2_1:
.Ltmp2:
0x29: {  	(pc) =	sbr.rel @!p0 .LBB2_2-.Ltmp2, $1  }
0x2a: {  	_ =	sdelay $0x3  }
0x2b: {  	[spmem:s16], [sflag:s15] =	dma.local [hbm:s8], $0x2800  }
0x2c: {  	_ =	swait.ge [sflag:s17], $0x2800  }
0x2d: {  	[sflag:s17] =	ssyncset.done $0x0  }
0x2e: {  	[sflag:s17] =	ssyncadd.s32 $0xFFFFD800  }
0x2f: {  	s22 =	sadd.s32 $0x0, s14;
	[bflag:$0x0] =	sbarrier.arrive $0xFFFF  }
0x30: {  	[tilespmem:s3], [sflag:$0x2] =	stream.linear.gather [hbm4b:s22+s3], $0x80, $0x38;
	[tilespmem:$0x18100] =	vst v63  }
0x31: {  	_ =	swait.ge [sflag:s17], $0x80  }
0x32: {  	[sflag:s17] =	ssyncset.done $0x0  }
0x33: {  	s31 =	sadd.s32 $0x0, s13;
	[sflag:s17] =	ssyncadd.s32 $0xFFFFFF80  }
0x34: {  	[tilespmem:s18], [sflag:$0x2] =	stream.linear.gather [hbm4b:s31+s3], $0x80, $0x38;
	[tilespmem:$0x18100] =	vst v63  }
0x35: {  	_ =	swait.ge [sflag:s17], $0x80  }
0x36: {  	[sflag:s17] =	ssyncset.done $0x0  }
0x37: {  	[sflag:s17] =	ssyncadd.s32 $0xFFFFFF80  }
0x38: {  	[tilespmem:s19], [sflag:$0x1] =	stream.indirect.gather [hbm4b:s4+s18], $0x80, s3, s18, $0xb8;
	[tilespmem:$0x18100] =	vst v63  }
0x39: {  	_ =	swait.ge [sflag:s20], $0x4000  }
0x3a: {  	[sflag:s20] =	ssyncset.done $0x0  }
0x3b: {  	[sflag:s20] =	ssyncadd.s32 $0xFFFFC000  }
0x3c: {  	[spmem:s2] =	stream.indirect.scatter.add.f32 [tilespmem:s19], [sflag:$0x2], $0x80, s18, s18, $0xb8;
	[tilespmem:$0x18100] =	vst v63  }
0x3d: {  	_ =	swait.ge [sflag:s17], $0x4000  }
0x3e: {  	s23 =	simm.s32 $0x20;
	s22 =	simm.s32 $0x10;
	[sflag:s17] =	ssyncset.done $0x0  }
.LBB2_6:
0x3f: {  	s24 =	sadd.s32 s22, s14  }
0x40: {  	[sflag:s17] =	ssyncadd.s32 $0xFFFFC000;
	s25 =	smov.u32 s23;
	s26 =	sadd.s32 $0x10, s23  }
0x41: {  	[tilespmem:s3], [sflag:$0x2] =	stream.linear.gather [hbm4b:s24+s3], $0x80, $0x38;
	[tilespmem:$0x18100] =	vst v63  }
0x42: {  	p1 =	sne.s32 s23, $0x4E0;
	_ =	swait.ge [sflag:s17], $0x80  }
0x43: {  	[sflag:s17] =	ssyncset.done $0x0  }
0x44: {  	s23 =	sadd.s32 s22, s13;
	s22 =	smov.u32 s25;
	[sflag:s17] =	ssyncadd.s32 $0xFFFFFF80  }
0x45: {  	[tilespmem:s18], [sflag:$0x2] =	stream.linear.gather [hbm4b:s23+s3], $0x80, $0x38;
	[tilespmem:$0x18100] =	vst v63  }
0x46: {  	_ =	swait.ge [sflag:s17], $0x80  }
0x47: {  	[sflag:s17] =	ssyncset.done $0x0  }
0x48: {  	[sflag:s17] =	ssyncadd.s32 $0xFFFFFF80  }
0x49: {  	[tilespmem:s19], [sflag:$0x1] =	stream.indirect.gather [hbm4b:s4+s18], $0x80, s3, s18, $0xb8;
	[tilespmem:$0x18100] =	vst v63  }
0x4a: {  	_ =	swait.ge [sflag:s20], $0x4000  }
.Ltmp3:
0x4b: {  	[sflag:s20] =	ssyncset.done $0x0;
	(pc) =	sbr.rel @p1 .LBB2_6-.Ltmp3, $4  }
0x4c: {  	[sflag:s20] =	ssyncadd.s32 $0xFFFFC000  }
0x4d: {  	[spmem:s2] =	stream.indirect.scatter.add.f32 [tilespmem:s19], [sflag:$0x2], $0x80, s18, s18, $0xb8;
	[tilespmem:$0x18100] =	vst v63  }
0x4e: {  	_ =	swait.ge [sflag:s17], $0x4000  }
0x4f: {  	s23 =	smov.u32 s26;
	[sflag:s17] =	ssyncset.done $0x0  }
.Ltmp4:
0x50: {  	_ = 	snop;
	(pc) =	sbr.rel .LBB2_7-.Ltmp4, $1  }
0x51: {  	_ =	sdelay $0x3  }
.LBB2_2:
0x52: {  	[spmem:s16], [sflag:s15] =	dma.local [hbm:s7], $0x2800  }
0x53: {  	_ =	swait.ge [sflag:s17], $0x2800  }
0x54: {  	[sflag:s17] =	ssyncset.done $0x0  }
0x55: {  	[sflag:s17] =	ssyncadd.s32 $0xFFFFD800  }
0x56: {  	s22 =	sadd.s32 $0x0, s12;
	[bflag:$0x0] =	sbarrier.arrive $0xFFFF  }
0x57: {  	[tilespmem:s3], [sflag:$0x2] =	stream.linear.gather [hbm4b:s22+s3], $0x80, $0x38;
	[tilespmem:$0x18100] =	vst v63  }
0x58: {  	_ =	swait.ge [sflag:s17], $0x80  }
0x59: {  	[sflag:s17] =	ssyncset.done $0x0  }
0x5a: {  	s31 =	sadd.s32 $0x0, s11;
	[sflag:s17] =	ssyncadd.s32 $0xFFFFFF80  }
0x5b: {  	[tilespmem:s18], [sflag:$0x2] =	stream.linear.gather [hbm4b:s31+s3], $0x80, $0x38;
	[tilespmem:$0x18100] =	vst v63  }
0x5c: {  	_ =	swait.ge [sflag:s17], $0x80  }
0x5d: {  	[sflag:s17] =	ssyncset.done $0x0  }
0x5e: {  	[sflag:s17] =	ssyncadd.s32 $0xFFFFFF80  }
0x5f: {  	[tilespmem:s19], [sflag:$0x1] =	stream.indirect.gather [hbm4b:s4+s18], $0x80, s3, s18, $0xb8;
	[tilespmem:$0x18100] =	vst v63  }
0x60: {  	_ =	swait.ge [sflag:s20], $0x4000  }
0x61: {  	[sflag:s20] =	ssyncset.done $0x0  }
0x62: {  	[sflag:s20] =	ssyncadd.s32 $0xFFFFC000  }
0x63: {  	[spmem:s2] =	stream.indirect.scatter.add.f32 [tilespmem:s19], [sflag:$0x2], $0x80, s18, s18, $0xb8;
	[tilespmem:$0x18100] =	vst v63  }
0x64: {  	_ =	swait.ge [sflag:s17], $0x4000  }
0x65: {  	s23 =	simm.s32 $0x20;
	s22 =	simm.s32 $0x10;
	[sflag:s17] =	ssyncset.done $0x0  }
.LBB2_3:
0x66: {  	s24 =	sadd.s32 s22, s12  }
0x67: {  	[sflag:s17] =	ssyncadd.s32 $0xFFFFC000;
	s25 =	smov.u32 s23;
	s26 =	sadd.s32 $0x10, s23  }
0x68: {  	[tilespmem:s3], [sflag:$0x2] =	stream.linear.gather [hbm4b:s24+s3], $0x80, $0x38;
	[tilespmem:$0x18100] =	vst v63  }
0x69: {  	p1 =	seq.s32 s23, $0x4E0;
	_ =	swait.ge [sflag:s17], $0x80  }
0x6a: {  	[sflag:s17] =	ssyncset.done $0x0  }
0x6b: {  	s23 =	sadd.s32 s22, s11;
	s22 =	smov.u32 s25;
	[sflag:s17] =	ssyncadd.s32 $0xFFFFFF80  }
0x6c: {  	[tilespmem:s18], [sflag:$0x2] =	stream.linear.gather [hbm4b:s23+s3], $0x80, $0x38;
	[tilespmem:$0x18100] =	vst v63  }
0x6d: {  	_ =	swait.ge [sflag:s17], $0x80  }
0x6e: {  	[sflag:s17] =	ssyncset.done $0x0  }
0x6f: {  	[sflag:s17] =	ssyncadd.s32 $0xFFFFFF80  }
0x70: {  	[tilespmem:s19], [sflag:$0x1] =	stream.indirect.gather [hbm4b:s4+s18], $0x80, s3, s18, $0xb8;
	[tilespmem:$0x18100] =	vst v63  }
0x71: {  	_ =	swait.ge [sflag:s20], $0x4000  }
.Ltmp5:
0x72: {  	[sflag:s20] =	ssyncset.done $0x0;
	(pc) =	sbr.rel @!p1 .LBB2_3-.Ltmp5, $4  }
0x73: {  	[sflag:s20] =	ssyncadd.s32 $0xFFFFC000  }
0x74: {  	[spmem:s2] =	stream.indirect.scatter.add.f32 [tilespmem:s19], [sflag:$0x2], $0x80, s18, s18, $0xb8;
	[tilespmem:$0x18100] =	vst v63  }
0x75: {  	_ =	swait.ge [sflag:s17], $0x4000  }
0x76: {  	s23 =	smov.u32 s26;
	[sflag:s17] =	ssyncset.done $0x0  }
0x77: {  	s23 =	sadd.s32 s22, s12;
	[sflag:s17] =	ssyncadd.s32 $0xFFFFC000  }
0x78: {  	[tilespmem:s3], [sflag:$0x2] =	stream.linear.gather [hbm4b:s23+s3], $0x80, $0x38;
	[tilespmem:$0x18100] =	vst v63  }
0x79: {  	_ =	swait.ge [sflag:s17], $0x80  }
0x7a: {  	[sflag:s17] =	ssyncset.done $0x0  }
0x7b: {  	s31 =	sadd.s32 s22, s11;
	[sflag:s17] =	ssyncadd.s32 $0xFFFFFF80  }
0x7c: {  	[tilespmem:s18], [sflag:$0x2] =	stream.linear.gather [hbm4b:s31+s3], $0x80, $0x38;
	[tilespmem:$0x18100] =	vst v63  }
0x7d: {  	_ =	swait.ge [sflag:s17], $0x80  }
0x7e: {  	[sflag:s17] =	ssyncset.done $0x0  }
0x7f: {  	[sflag:s17] =	ssyncadd.s32 $0xFFFFFF80  }
0x80: {  	[tilespmem:s19], [sflag:$0x1] =	stream.indirect.gather [hbm4b:s4+s18], $0x80, s3, s18, $0xb8;
	[tilespmem:$0x18100] =	vst v63  }
0x81: {  	_ =	swait.ge [sflag:s20], $0x4000  }
0x82: {  	[sflag:s20] =	ssyncset.done $0x0  }
.Ltmp6:
0x83: {  	[sflag:s20] =	ssyncadd.s32 $0xFFFFC000;
	(pc) =	sbr.rel .LBB2_8-.Ltmp6, $4  }
0x84: {  	[spmem:s2] =	stream.indirect.scatter.add.f32 [tilespmem:s19], [sflag:$0x2], $0x80, s18, s18, $0xb8;
	[tilespmem:$0x18100] =	vst v63  }
0x85: {  	_ =	swait.ge [sflag:s17], $0x4000  }
0x86: {  	[sflag:s17] =	ssyncset.done $0x0  }
0x87: {  	s22 =	smov.u32 s5;
	[sflag:s17] =	ssyncadd.s32 $0xFFFFC000  }
.LBB2_9:
0x88: {  	_ =	sfence.sel $0x180000  }
0x89: {  	[bflag:$0x0] =	sbarrier.arrive $0xFFFF  }
0x8a: {  	p0 =	sne.s32 s1, $0x0;
	_ =	strace $0x90000050  }
0x8b: {  	s0 =	sadd.s32 @!p0 $0x100000, s0;
	[bflag:$0x2] =	sbarrier.arrive $0xFFFF  }
0x8c: {  	[sflag:s0] =	ssyncadd.tile.s32 @!p0 $0x1;
	_ =	shalt  }
.Lfunc_end2:
_tile_overlayer_lowered:
.L_overlay_start_2:
0x8d: {  	(tag) =	ssettag $0x2  }
0x8e: {  	s0 =	rddreg [dreg:$0x0];
	s2 =	stileid.u32  }
0x8f: {  	s1 =	rddreg [dreg:$0x1];
	p0 =	sne.s32 s2, $0x0  }
0x90: {  	s3 =	rddreg [dreg:$0x2];
	[bflag:$0x3] =	sbarrier.arrive $0xFFFF;
	s2 =	simm.s32 @!p0 $0x1C02  }
0x91: {  	[timem:s3], [sflag:s2] =	dma.local @!p0 [hbm:s0], s1  }
0x92: {  	s0 =	simm.s32 @!p0 $0x2  }
0x93: {  	_ =	swait.ge @!p0 [sflag:s0], s1  }
0x94: {  	s1 =	ssub.s32 @!p0 $0x0, s1;
	[sflag:s0] =	ssyncset.done @!p0 $0x0  }
0x95: {  	[sflag:s0] =	ssyncadd.s32 @!p0 s1  }
0x96: {  	[bflag:$0x3] =	sbarrier.arrive $0xFFFF  }
0x97: {  	_ =	shalt  }

// kernel: kernel.9.cloned.1.call-start
scs
__scs_entry_jumppad:
0x0: {  	(pc) =	sbr.rel $0x88, $3  }
0x1: {  	(tag) =	ssettag $0x0;
	lr =	simm.s32 $0x1  }
0x2: {  	[smem:$0x3F96] =	sst lr;
	_ =	strace $0xD0000000  }
0x3: {  	_ = 	snop  }
0x4: {  	_ = 	snop  }
0x5: {  	_ = 	snop  }
0x6: {  	_ = 	snop  }
0x7: {  	_ = 	snop  }
__scs_overlays_trampoline_lowered:
0x8: {  	[smem:$0x3FA5] =	sst s0  }
0x9: {  	[smem:$0x3FA6] =	sst s1  }
0xa: {  	[smem:$0x3FA7] =	sst s2  }
0xb: {  	[smem:$0x3FA8] =	sst s3  }
0xc: {  	[smem:$0x3FA9] =	sst s4  }
0xd: {  	[smem:$0x3FAA] =	sst s5  }
0xe: {  	[smem:$0x3FAB] =	sst s6  }
0xf: {  	[smem:$0x3FAC] =	sst s7  }
0x10: {  	[smem:$0x3FAD] =	sst s8  }
0x11: {  	[smem:$0x3FAE] =	sst s9;
	s0 =	simm.s32 @!p0 $0x0  }
0x12: {  	s1 =	sld [smem:$0x3F94];
	s0 =	simm.s32 @p0 $0x1  }
0x13: {  	[smem:$0x3FAF] =	sst s0;
	s0 =	simm.s32 @!p1 $0x0  }
0x14: {  	s2 =	sld [smem:$0x3F93];
	s0 =	simm.s32 @p1 $0x1  }
0x15: {  	[smem:$0x3FB0] =	sst s0;
	s0 =	simm.s32 @!p2 $0x0  }
0x16: {  	s3 =	sld [smem:$0x3FDB];
	s0 =	simm.s32 @p2 $0x1  }
0x17: {  	s4 =	simm.s32 $0x1BF5;
	[smem:$0x3FB2] =	sst s0  }
0x18: {  	s0 =	sld [smem:$0x3F95];
	_ =	swait.ge [sflag:s4], $0x0  }
0x19: {  	s7 =	sld [smem:$0x3F96]  }
0x1a: {  	s8 =	sadd.s32 $0xFFFFE003, lr  }
0x1b: {  	s9 =	sadd.s32 $0xFFFFFEF7, lr;
	s5 =	simm.s32 $0xFFFFFFFF;
	p2 =	slt.u32 s8, $0xFFFFF086  }
0x1c: {  	p1 =	slt.u32 s9, $0xF7A;
	s5 =	simm.s32 @!p2 $0x0  }
0x1d: {  	s5 =	simm.s32 @p1 $0x1;
	p0 =	seq.s32 s7, s2  }
0x1e: {  	s7 =	smul.u32 @!p0 $0xF7A, s2;
	p2 =	seq.s32 @!p0 s5, $0x0  }
0x1f: {  	s9 =	smul.u32 $0xF7A, s1;
	s8 =	simm.s32 @!p0 $0x1BF5;
	p2 =	por !p2, p0  }
0x20: {  	[sflag:s8] =	ssyncset.s32 @!p0 $0xFFFFF086;
	s6 =	sadd.s32 @!p0 s3, s7;
	s7 =	simm.s32 @!p0 $0x108  }
0x21: {  	s3 =	sadd.s32 s3, s9;
	s6 =	sadd.s32 @!p0 $0x88, s6;
	s7 =	simm.s32 @p2 $0x1082  }
0x22: {  	[simem:s7], [sflag:s8] =	dma.local @!p0 [hbm:s6], $0xF7A  }
0x23: {  	s9 =	sor.u32 $0xD0000000, s2;
	s6 =	simm.s32 $0x108;
	_ =	swait.ge @!p0 [sflag:s8], $0x0  }
0x24: {  	s3 =	sadd.s32 $0x88, s3;
	s6 =	simm.s32 @!p1 $0x1082;
	[sflag:s4] =	ssyncset.s32 $0xFFFFF086  }
0x25: {  	[simem:s6], [sflag:s4] =	dma.local [hbm:s3], $0xF7A  }
0x26: {  	[smem:$0x3F96] =	sst s1;
	(tag) =	ssettag s2;
	_ =	strace s9  }
0x27: {  	s1 =	sld [smem:$0x3FA6]  }
0x28: {  	s2 =	sld [smem:$0x3FA7]  }
0x29: {  	s4 =	sld [smem:$0x3FA9]  }
0x2a: {  	p0 =	seq.s32 s5, $0x0;
	s5 =	sld [smem:$0x3FAA]  }
0x2b: {  	s6 =	sld [smem:$0x3FAB]  }
0x2c: {  	s7 =	sld [smem:$0x3FAC]  }
0x2d: {  	s3 =	simm.s32 $0x108;
	s8 =	sld [smem:$0x3FAD]  }
0x2e: {  	s3 =	simm.s32 @!p0 $0x1082;
	s9 =	sld [smem:$0x3FAE]  }
0x2f: {  	lr =	sadd.s32 s0, s3;
	s0 =	sld [smem:$0x3FA5]  }
0x30: {  	s3 =	sld [smem:$0x3FA8]  }
0x31: {  	[smem:$0x3FB1] =	sst s10  }
0x32: {  	s10 =	sld [smem:$0x3FAF];
	_ =	sdelay $0x3  }
0x33: {  	p0 =	seq.s32 s10, $0x1;
	s10 =	sld [smem:$0x3FB1];
	_ =	sdelay $0x3  }
0x34: {  	[smem:$0x3FB1] =	sst s10  }
0x35: {  	s10 =	sld [smem:$0x3FB0];
	_ =	sdelay $0x3  }
0x36: {  	p1 =	seq.s32 s10, $0x1;
	s10 =	sld [smem:$0x3FB1];
	_ =	sdelay $0x3  }
0x37: {  	[smem:$0x3FB1] =	sst s10  }
0x38: {  	s10 =	sld [smem:$0x3FB2]  }
0x39: {  	_ = 	snop;
	(pc) =	sbr.ind lr, $3  }
0x3a: {  	_ = 	snop  }
0x3b: {  	_ = 	snop  }
0x3c: {  	p2 =	seq.s32 s10, $0x1;
	s10 =	sld [smem:$0x3FB1]  }
0x3d: {  	_ =	shalt  }
0x3e: {  	_ =	shalt  }
0x3f: {  	_ =	shalt  }
0x40: {  	_ =	shalt  }
0x41: {  	_ =	shalt  }
0x42: {  	_ =	shalt  }
0x43: {  	_ =	shalt  }
0x44: {  	_ =	shalt  }
0x45: {  	_ =	shalt  }
0x46: {  	_ =	shalt  }
0x47: {  	_ =	shalt  }
0x48: {  	_ =	shalt  }
0x49: {  	_ =	shalt  }
0x4a: {  	_ =	shalt  }
0x4b: {  	_ =	shalt  }
0x4c: {  	_ =	shalt  }
0x4d: {  	_ =	shalt  }
0x4e: {  	_ =	shalt  }
0x4f: {  	_ =	shalt  }
0x50: {  	_ =	shalt  }
0x51: {  	_ =	shalt  }
0x52: {  	_ =	shalt  }
0x53: {  	_ =	shalt  }
0x54: {  	_ =	shalt  }
0x55: {  	_ =	shalt  }
0x56: {  	_ =	shalt  }
0x57: {  	_ =	shalt  }
0x58: {  	_ =	shalt  }
0x59: {  	_ =	shalt  }
0x5a: {  	_ =	shalt  }
0x5b: {  	_ =	shalt  }
0x5c: {  	_ =	shalt  }
0x5d: {  	_ =	shalt  }
0x5e: {  	_ =	shalt  }
0x5f: {  	_ =	shalt  }
0x60: {  	_ =	shalt  }
0x61: {  	_ =	shalt  }
0x62: {  	_ =	shalt  }
0x63: {  	_ =	shalt  }
0x64: {  	_ =	shalt  }
0x65: {  	_ =	shalt  }
0x66: {  	_ =	shalt  }
0x67: {  	_ =	shalt  }
0x68: {  	_ =	shalt  }
0x69: {  	_ =	shalt  }
0x6a: {  	_ =	shalt  }
0x6b: {  	_ =	shalt  }
0x6c: {  	_ =	shalt  }
0x6d: {  	_ =	shalt  }
0x6e: {  	_ =	shalt  }
0x6f: {  	_ =	shalt  }
0x70: {  	_ =	shalt  }
0x71: {  	_ =	shalt  }
0x72: {  	_ =	shalt  }
0x73: {  	_ =	shalt  }
0x74: {  	_ =	shalt  }
0x75: {  	_ =	shalt  }
0x76: {  	_ =	shalt  }
0x77: {  	_ =	shalt  }
0x78: {  	_ =	shalt  }
0x79: {  	_ =	shalt  }
0x7a: {  	_ =	shalt  }
0x7b: {  	_ =	shalt  }
0x7c: {  	_ =	shalt  }
0x7d: {  	_ =	shalt  }
0x7e: {  	_ =	shalt  }
0x7f: {  	_ =	shalt  }
0x80: {  	_ =	shalt  }
0x81: {  	_ =	shalt  }
0x82: {  	_ =	shalt  }
0x83: {  	_ =	shalt  }
0x84: {  	_ =	shalt  }
0x85: {  	_ =	shalt  }
0x86: {  	_ =	shalt  }
0x87: {  	_ =	shalt  }
.Lfunc_end0:
.L_simem_size_0:
called_computation_lowered:
.L_overlay_start_0:
0x88: {  	s2 =	sld [smem:$0x3FD9]  }
0x89: {  	s3 =	sld [smem:$0x3FFE];
	_ =	sdelay $0x1  }
0x8a: {  	s1 =	srdreg.scid  }
0x8b: {  	s0 =	sand.u32 $0x1, s1  }
0x8c: {  	s17 =	sshll.u32 s0, $0xA;
	s2 =	sadd.s32 s3, s2  }
0x8d: {  	s2 =	sadd.s32 s2, s17  }
0x8e: {  	[smem:$0x3FBD] =	sst s2  }
0x8f: {  	_ = 	snop  }
0x90: {  	(tm) =	ssettm $0x1  }
0x91: {  	s18 =	sld [smem:$0x3FFB];
	_ =	sdelay $0x3  }
0x92: {  	_ =	strace s18  }
0x93: {  	s2 =	sld [smem:$0x3FFC];
	_ =	sdelay $0x3  }
0x94: {  	_ =	strace s2  }
0x95: {  	s2 =	sld [smem:$0x3FFD];
	_ =	sdelay $0x3  }
0x96: {  	_ =	strace s2  }
0x97: {  	_ =	strace $0x8FFFFFFF  }
0x98: {  	s19 =	sld [smem:$0x3FDB];
	_ =	sdelay $0x1  }
0x99: {  	s20 =	simm.s32 $_scs_section_size  }
0x9a: {  	s4 =	simm.s32 $_size__tile_overlayer_lowered;
	s5 =	simm.s32 $_tile_overlayer_lowered  }
0x9b: {  	s6 =	simm.s32 $0x1BFF;
	s21 =	sshll.u32 s5, $0x1;
	s3 =	sadd.s32 s20, s19  }
0x9c: {  	s22 =	simm.s32 $0x0;
	s4 =	sshll.u32 s4, $0x1;
	s5 =	sadd.s32 s21, s3  }
0x9d: {  	[timem:s22], [sflag:s6] =	dma.local [hbm:s5], s4  }
0x9e: {  	_ =	swait.ge [sflag:s6], s4  }
0x9f: {  	s4 =	ssub.s32 $0x0, s4;
	[sflag:s6] =	ssyncset.done $0x0  }
0xa0: {  	[sflag:s6] =	ssyncadd.s32 s4;
	_ =	sdelay $0x1  }
0xa1: {  	s23 =	simm.s32 $0x1B8B  }
0xa2: {  	_ =	swait.ge [sflag:s23], $0x1  }
0xa3: {  	[sflag:s23] =	ssyncset.done $0x0  }
0xa4: {  	[sflag:s23] =	ssyncadd.s32 $0xFFFFFFFF  }
0xa5: {  	s4 =	sld [smem:$0x0]  }
0xa6: {  	s5 =	sand.u32 $0xFFFFFFFE, s1  }
0xa7: {  	p0 =	sne.s32 s1, s5  }
0xa8: {  	s5 =	sshll.u32 @p0 s5, $0xE  }
0xa9: {  	s5 =	sadd.s32 @p0 $0x11B8D, s5;
	s6 =	sshll.u32 @p0 s4, $0x11  }
0xaa: {  	s5 =	sor.u32 @p0 s6, s5  }
0xab: {  	[sflag:s5] =	ssyncadd.remote.s32 @p0 $0x1;
	_ =	sdelay $0x1  }
0xac: {  	s5 =	simm.s32 @p0 $0x1B8D  }
0xad: {  	_ =	swait.eq @p0 [sflag:s5], $0x1  }
0xae: {  	[sflag:s5] =	ssyncadd.s32 @p0 $0xFFFFFFFF  }
0xaf: {  	s6 =	sshll.u32 @!p0 s1, $0xE  }
0xb0: {  	s6 =	sor.u32 @!p0 $0x4000, s6;
	s5 =	simm.s32 @!p0 $0x1B8D  }
0xb1: {  	s4 =	sshll.u32 @!p0 s4, $0x11;
	s6 =	sadd.s32 @!p0 $0x11B8D, s6;
	_ =	swait.eq @!p0 [sflag:s5], $0x1  }
0xb2: {  	s4 =	sor.u32 @!p0 s4, s6;
	[sflag:s5] =	ssyncadd.s32 @!p0 $0xFFFFFFFF  }
0xb3: {  	s25 =	simm.s32 $0x1B8E;
	s24 =	sld [smem:$0x3FFE];
	[sflag:s4] =	ssyncadd.remote.s32 @!p0 $0x1  }
0xb4: {  	s26 =	simm.s32 $execute0_lowered;
	[smem:$0x3FD2] =	sst s25  }
0xb5: {  	s5 =	sshll.u32 s26, $0x1;
	_ =	strace $0x80000049;
	[dreg:$0x1] =	wrdreg $0xFFFFFFFF  }
0xb6: {  	s28 =	simm.s32 $_size_execute0_lowered;
	s3 =	sadd.s32 s3, s5;
	[dreg:$0x0] =	wrdreg $0x0  }
0xb7: {  	s5 =	sshll.u32 s28, $0x1;
	[dreg:$0x2] =	wrdreg s3  }
0xb8: {  	[dreg:$0x3] =	wrdreg s5  }
0xb9: {  	[dreg:$0x4] =	wrdreg $0xC0  }
0xba: {  	_ =	task [dreg:s22], $0x5FFFF  }
0xbb: {  	[dreg:$0x1] =	wrdreg $0xFFFFFFFF  }
0xbc: {  	[dreg:$0x0] =	wrdreg $0x60  }
0xbd: {  	[dreg:$0x2] =	wrdreg s24  }
0xbe: {  	[dreg:$0x3] =	wrdreg $0x40800  }
0xbf: {  	[dreg:$0x4] =	wrdreg $0x9  }
0xc0: {  	_ =	task.clear_ibuf [dreg:s22], $0x5FFFF;
	_ =	strace $0x90000049  }
0xc1: {  	s29 =	simm.s32 $0x9;
	_ =	strace $0x8000004B  }
0xc2: {  	_ =	swait.ge [sflag:s29], $0x1  }
0xc3: {  	[sflag:s29] =	ssyncadd.s32 $0xFFFFFFFF  }
0xc4: {  	_ =	strace $0x9000004B  }
0xc5: {  	_ =	sfence  }
0xc6: {  	s30 =	sld [smem:$0x0];
	_ =	sdelay $0x2  }
0xc7: {  	s31 =	sshll.u32 s1, $0xD;
	s1 =	sshrl.u32 s1, $0x2  }
0xc8: {  	s4 =	sand.u32 $0x4000, s31;
	s1 =	sadd.s32 s1, s30  }
0xc9: {  	s0 =	sor.u32 s4, s0;
	s1 =	sshll.u32 s1, $0x11  }
0xca: {  	s0 =	sor.u32 s1, s0  }
0xcb: {  	s0 =	sadd.s32 $0x8F2B, s0  }
0xcc: {  	[sflag:s0] =	ssyncadd.remote.s32 $0x1  }
0xcd: {  	_ =	sfence.sel $0xFFFF  }
0xce: {  	[dreg:$0x0] =	wrdreg $0xFFFFFFFF;
	(pc) =	sbr.abs _section_cstart, $3  }
0xcf: {  	[dreg:$0x1] =	wrdreg $0xFFFFFFFF  }
0xd0: {  	_ =	task.clear_ibuf [dreg:s22], $0x2FFFF;
	_ =	strace $0x9FFFFFFF  }
0xd1: {  	(tm) =	ssettm $0x7FFFFFFF  }
tec
execute0_lowered:
.L_overlay_start_1:
0x0: {  	(tag) =	ssettag $0x1  }
0x1: {  	s5 =	rddreg [dreg:$0x0]  }
0x2: {  	s2 =	rddreg [dreg:$0x1]  }
0x3: {  	s0 =	rddreg [dreg:$0x2];
	s3 =	simm.s32 $0x0  }
0x4: {  	s1 =	stileid.u32;
	s6 =	srdreg.scid;
	s15 =	simm.s32 $0x1  }
0x5: {  	s16 =	simm.s32 $0x80;
	s17 =	simm.s32 $0x0;
	s4 =	smul.u32 $0x9E0, s1  }
0x6: {  	[smem:$0x7FF] =	sst s3;
	s8 =	sadd.s32 $0x34A00, s5;
	s9 =	smul.u32 $0x50000, s1  }
0x7: {  	s7 =	sand.u32 $0x1, s6;
	s11 =	smul.u32 $0x14000, s1;
	s13 =	sshll.u32 s1, $0x6  }
0x8: {  	_ =	strace $0x8000004A;
	s6 =	ssub.s32 $0x2, s7;
	p0 =	seq.s32 s7, $0x1  }
0x9: {  	s13 =	sor.u32 $0x1C01, s13;
	s12 =	sadd.s32 s4, s5;
	s4 =	sadd.s32 $0xACA00, s5  }
.Ltmp0:
0xa: {  	s5 =	sadd.s32 $0xAD200, s5;
	s10 =	sshrl.u32 s6, $0x1;
	(pc) =	sbr.rel .LBB2_1-.Ltmp0, $4  }
0xb: {  	s9 =	sshrl.u32 s9, $0x2;
	s31 =	sshrl.u32 s11, $0x3;
	s10 =	ssub.s32 s6, s10  }
0xc: {  	s6 =	smul.u32 $0x2800, s1;
	s14 =	sadd.s32 s9, s2;
	s9 =	sadd.s32 $0x28000, s31  }
0xd: {  	s11 =	sadd.s32 $0x2C00, s12;
	s12 =	sadd.s32 $0x30F0, s12;
	s10 =	smax.u32 s10, $0x1  }
0xe: {  	s14 =	sshrl.u32 s14, $0x3;
	s7 =	sadd.s32 s8, s6;
	s8 =	sadd.s32 s8, s31  }
.LBB2_7:
0xf: {  	s18 =	sadd.s32 s18, s12;
	[sflag:s15] =	ssyncadd.s32 $0xFFFFC000  }
0x10: {  	[tilespmem:s3], [sflag:$0x1] =	stream.linear.gather [hbm4b:s18+s3], $0x80, $0x38;
	[tilespmem:$0x18080] =	vst v63  }
0x11: {  	_ =	swait.ge [sflag:s15], $0x80  }
0x12: {  	[sflag:s15] =	ssyncset.done $0x0  }
0x13: {  	[sflag:s15] =	ssyncadd.s32 $0xFFFFFF80  }
0x14: {  	[spmem:s2] =	stream.indirect.scatter.add.f32 [tilespmem:s16], [sflag:$0x1], $0x80, s3, s16, $0xb8;
	[tilespmem:$0x18080] =	vst v63  }
0x15: {  	_ =	swait.ge [sflag:s15], $0x4000  }
0x16: {  	[sflag:s15] =	ssyncset.done $0x0  }
0x17: {  	s18 =	smov.u32 s9;
	[sflag:s15] =	ssyncadd.s32 $0xFFFFC000  }
.LBB2_8:
0x18: {  	s17 =	sadd.s32 $0x1, s17  }
0x19: {  	p1 =	sne.s32 s17, s10  }
.Ltmp1:
0x1a: {  	s18 =	sadd.s32 s5, s18;
	[bflag:$0x0] =	sbarrier.arrive $0xFFFF;
	(pc) =	sbr.rel @!p1 .LBB2_9-.Ltmp1, $4  }
0x1b: {  	[hbm:s18], [sflag:s13] =	dma.local [spmem:s14], $0x2800  }
0x1c: {  	_ =	swait.ge [sflag:s15], $0x2800  }
0x1d: {  	[sflag:s15] =	ssyncset.done $0x0  }
0x1e: {  	[sflag:s15] =	ssyncadd.s32 $0xFFFFD800  }
.LBB2_1:
.Ltmp2:
0x1f: {  	(pc) =	sbr.rel @!p0 .LBB2_2-.Ltmp2, $1  }
0x20: {  	_ =	sdelay $0x3  }
0x21: {  	[spmem:s14], [sflag:s13] =	dma.local [hbm:s8], $0x2800  }
0x22: {  	_ =	swait.ge [sflag:s15], $0x2800  }
0x23: {  	[sflag:s15] =	ssyncset.done $0x0  }
0x24: {  	s18 =	simm.s32 $0x0;
	[sflag:s15] =	ssyncadd.s32 $0xFFFFD800  }
0x25: {  	[tilespmem:s16], [sflag:$0x1] =	stream.linear.gather [hbm4b:s4+s18], $0x4000, $0x38;
	[tilespmem:$0x18080] =	vst v63  }
0x26: {  	_ =	swait.ge [sflag:s15], $0x4000  }
0x27: {  	[sflag:s15] =	ssyncset.done $0x0  }
0x28: {  	[sflag:s15] =	ssyncadd.s32 $0xFFFFC000  }
0x29: {  	s31 =	sadd.s32 $0x0, s12;
	[bflag:$0x0] =	sbarrier.arrive $0xFFFF  }
0x2a: {  	[tilespmem:s3], [sflag:$0x1] =	stream.linear.gather [hbm4b:s31+s3], $0x80, $0x38;
	[tilespmem:$0x18080] =	vst v63  }
0x2b: {  	_ =	swait.ge [sflag:s15], $0x80  }
0x2c: {  	[sflag:s15] =	ssyncset.done $0x0  }
0x2d: {  	[sflag:s15] =	ssyncadd.s32 $0xFFFFFF80  }
0x2e: {  	[spmem:s2] =	stream.indirect.scatter.add.f32 [tilespmem:s16], [sflag:$0x1], $0x80, s3, s16, $0xb8;
	[tilespmem:$0x18080] =	vst v63  }
0x2f: {  	_ =	swait.ge [sflag:s15], $0x4000  }
0x30: {  	s19 =	simm.s32 $0x20;
	s18 =	simm.s32 $0x10;
	[sflag:s15] =	ssyncset.done $0x0  }
.LBB2_6:
0x31: {  	s20 =	sadd.s32 s18, s12  }
0x32: {  	[sflag:s15] =	ssyncadd.s32 $0xFFFFC000;
	s18 =	smov.u32 s19;
	s21 =	sadd.s32 $0x10, s19  }
0x33: {  	[tilespmem:s3], [sflag:$0x1] =	stream.linear.gather [hbm4b:s20+s3], $0x80, $0x38;
	[tilespmem:$0x18080] =	vst v63  }
0x34: {  	p1 =	sne.s32 s19, $0x4E0;
	_ =	swait.ge [sflag:s15], $0x80  }
.Ltmp3:
0x35: {  	[sflag:s15] =	ssyncset.done $0x0;
	(pc) =	sbr.rel @p1 .LBB2_6-.Ltmp3, $4  }
0x36: {  	[sflag:s15] =	ssyncadd.s32 $0xFFFFFF80  }
0x37: {  	[spmem:s2] =	stream.indirect.scatter.add.f32 [tilespmem:s16], [sflag:$0x1], $0x80, s3, s16, $0xb8;
	[tilespmem:$0x18080] =	vst v63  }
0x38: {  	_ =	swait.ge [sflag:s15], $0x4000  }
0x39: {  	s19 =	smov.u32 s21;
	[sflag:s15] =	ssyncset.done $0x0  }
.Ltmp4:
0x3a: {  	_ = 	snop;
	(pc) =	sbr.rel .LBB2_7-.Ltmp4, $1  }
0x3b: {  	_ =	sdelay $0x3  }
.LBB2_2:
0x3c: {  	[spmem:s14], [sflag:s13] =	dma.local [hbm:s7], $0x2800  }
0x3d: {  	_ =	swait.ge [sflag:s15], $0x2800  }
0x3e: {  	[sflag:s15] =	ssyncset.done $0x0  }
0x3f: {  	s18 =	simm.s32 $0x0;
	[sflag:s15] =	ssyncadd.s32 $0xFFFFD800  }
0x40: {  	[tilespmem:s16], [sflag:$0x1] =	stream.linear.gather [hbm4b:s4+s18], $0x4000, $0x38;
	[tilespmem:$0x18080] =	vst v63  }
0x41: {  	_ =	swait.ge [sflag:s15], $0x4000  }
0x42: {  	[sflag:s15] =	ssyncset.done $0x0  }
0x43: {  	[sflag:s15] =	ssyncadd.s32 $0xFFFFC000  }
0x44: {  	s31 =	sadd.s32 $0x0, s11;
	[bflag:$0x0] =	sbarrier.arrive $0xFFFF  }
0x45: {  	[tilespmem:s3], [sflag:$0x1] =	stream.linear.gather [hbm4b:s31+s3], $0x80, $0x38;
	[tilespmem:$0x18080] =	vst v63  }
0x46: {  	_ =	swait.ge [sflag:s15], $0x80  }
0x47: {  	[sflag:s15] =	ssyncset.done $0x0  }
0x48: {  	[sflag:s15] =	ssyncadd.s32 $0xFFFFFF80  }
0x49: {  	[spmem:s2] =	stream.indirect.scatter.add.f32 [tilespmem:s16], [sflag:$0x1], $0x80, s3, s16, $0xb8;
	[tilespmem:$0x18080] =	vst v63  }
0x4a: {  	_ =	swait.ge [sflag:s15], $0x4000  }
0x4b: {  	s19 =	simm.s32 $0x20;
	s18 =	simm.s32 $0x10;
	[sflag:s15] =	ssyncset.done $0x0  }
.LBB2_3:
0x4c: {  	s20 =	sadd.s32 s18, s11  }
0x4d: {  	[sflag:s15] =	ssyncadd.s32 $0xFFFFC000;
	s18 =	smov.u32 s19;
	s21 =	sadd.s32 $0x10, s19  }
0x4e: {  	[tilespmem:s3], [sflag:$0x1] =	stream.linear.gather [hbm4b:s20+s3], $0x80, $0x38;
	[tilespmem:$0x18080] =	vst v63  }
0x4f: {  	p1 =	seq.s32 s19, $0x4E0;
	_ =	swait.ge [sflag:s15], $0x80  }
.Ltmp5:
0x50: {  	[sflag:s15] =	ssyncset.done $0x0;
	(pc) =	sbr.rel @!p1 .LBB2_3-.Ltmp5, $4  }
0x51: {  	[sflag:s15] =	ssyncadd.s32 $0xFFFFFF80  }
0x52: {  	[spmem:s2] =	stream.indirect.scatter.add.f32 [tilespmem:s16], [sflag:$0x1], $0x80, s3, s16, $0xb8;
	[tilespmem:$0x18080] =	vst v63  }
0x53: {  	_ =	swait.ge [sflag:s15], $0x4000  }
0x54: {  	s19 =	smov.u32 s21;
	[sflag:s15] =	ssyncset.done $0x0  }
0x55: {  	s18 =	sadd.s32 s18, s11;
	[sflag:s15] =	ssyncadd.s32 $0xFFFFC000  }
0x56: {  	[tilespmem:s3], [sflag:$0x1] =	stream.linear.gather [hbm4b:s18+s3], $0x80, $0x38;
	[tilespmem:$0x18080] =	vst v63  }
0x57: {  	_ =	swait.ge [sflag:s15], $0x80  }
0x58: {  	[sflag:s15] =	ssyncset.done $0x0  }
.Ltmp6:
0x59: {  	[sflag:s15] =	ssyncadd.s32 $0xFFFFFF80;
	(pc) =	sbr.rel .LBB2_8-.Ltmp6, $4  }
0x5a: {  	[spmem:s2] =	stream.indirect.scatter.add.f32 [tilespmem:s16], [sflag:$0x1], $0x80, s3, s16, $0xb8;
	[tilespmem:$0x18080] =	vst v63  }
0x5b: {  	_ =	swait.ge [sflag:s15], $0x4000  }
0x5c: {  	[sflag:s15] =	ssyncset.done $0x0  }
0x5d: {  	s18 =	smov.u32 s6;
	[sflag:s15] =	ssyncadd.s32 $0xFFFFC000  }
.LBB2_9:
0x5e: {  	_ =	sfence.sel $0x180000  }
0x5f: {  	[bflag:$0x0] =	sbarrier.arrive $0xFFFF  }
0x60: {  	p0 =	sne.s32 s1, $0x0;
	_ =	strace $0x9000004A  }
0x61: {  	s0 =	sadd.s32 @!p0 $0x100000, s0;
	[bflag:$0x2] =	sbarrier.arrive $0xFFFF  }
0x62: {  	[sflag:s0] =	ssyncadd.tile.s32 @!p0 $0x1;
	_ =	shalt  }
.Lfunc_end2:
_tile_overlayer_lowered:
.L_overlay_start_2:
0x63: {  	(tag) =	ssettag $0x2  }
0x64: {  	s0 =	rddreg [dreg:$0x0];
	s2 =	stileid.u32  }
0x65: {  	s1 =	rddreg [dreg:$0x1];
	p0 =	sne.s32 s2, $0x0  }
0x66: {  	s3 =	rddreg [dreg:$0x2];
	[bflag:$0x3] =	sbarrier.arrive $0xFFFF;
	s2 =	simm.s32 @!p0 $0x1C01  }
0x67: {  	[timem:s3], [sflag:s2] =	dma.local @!p0 [hbm:s0], s1  }
0x68: {  	s0 =	simm.s32 @!p0 $0x1  }
0x69: {  	_ =	swait.ge @!p0 [sflag:s0], s1  }
0x6a: {  	s1 =	ssub.s32 @!p0 $0x0, s1;
	[sflag:s0] =	ssyncset.done @!p0 $0x0  }
0x6b: {  	[sflag:s0] =	ssyncadd.s32 @!p0 s1  }
0x6c: {  	[bflag:$0x3] =	sbarrier.arrive $0xFFFF  }
0x6d: {  	_ =	shalt  }

</sc_bundles>
